<compile_context>
chip_gen: v7x
topology: tpu7x:2x2x1
jax: 0.10.2.dev20260603
libtpu: 0.0.44.dev20260713+nightly
codegen_flags: <defaults>
</compile_context>

<pallas_src>
import functools

import jax
import jax.numpy as jnp
from jax import lax
from jax.experimental import pallas as pl
from jax.experimental.pallas import tpu as pltpu
from jax.experimental.pallas import tpu_sc as plsc

_B = 16384
_CLS = 100
_N = _B * _CLS
_NW = 32
_SC_W = 128
_SC_N = _NW * _SC_W
_SC_C0 = _B - _SC_N
_TBLK = 2048
_TSTEPS = _SC_C0 // _TBLK
_PH = _SC_W // 16
_BAL = 4915.2001953125

_C4 = (1.41512175e-04, 9.95427338e-01, -4.64072580e-01, 2.16410438e-01,
       -5.48628529e-02)


def _log1p_poly(u):
    lp = u * jnp.float32(_C4[4])
    for c in (_C4[3], _C4[2]):
        lp = (lp + c) * u
    return (lp + _C4[1]) * u + _C4[0]


@functools.partial(
    pl.kernel,
    out_type=jax.ShapeDtypeStruct((_NW, _CLS, 48), jnp.float32),
    mesh=plsc.VectorSubcoreMesh(core_axis_name="c", subcore_axis_name="s"),
    compiler_params=pltpu.CompilerParams(use_tc_tiling_on_sc=True,
                                         skip_device_barrier=True),
    scratch_types=[
        pltpu.VMEM((_CLS, _SC_W), jnp.float32),
        pltpu.VMEM((_CLS, _SC_W), jnp.float32),
        pltpu.VMEM((_CLS, 48), jnp.float32),
        pltpu.SemaphoreType.DMA,
        pltpu.SemaphoreType.DMA,
    ],
)
def _sc_partials(pred_hbm, targ_hbm, out_hbm, pred_v, targ_v, acc_v, s0, s1):
    wid = lax.axis_index("s") * 2 + lax.axis_index("c")
    col0 = _SC_C0 + wid * _SC_W
    cs = pl.ds(col0, _SC_W)
    cp0 = pltpu.async_copy(pred_hbm.at[:, cs], pred_v, s0)
    cp1 = pltpu.async_copy(targ_hbm.at[:, cs], targ_v, s1)
    cp0.wait()
    cp1.wait()

    def body(r):
        a_t = a_b = a_s1 = None
        for j in range(_PH):
            x = pred_v[r, pl.ds(16 * j, 16)]
            t = targ_v[r, pl.ds(16 * j, 16)]
            u = jnp.exp(-jnp.abs(x))
            bce = jnp.maximum(x, 0.0) - x * t + _log1p_poly(u)
            s1v = t * bce
            a_t = t if a_t is None else a_t + t
            a_b = bce if a_b is None else a_b + bce
            a_s1 = s1v if a_s1 is None else a_s1 + s1v
        acc_v[r, pl.ds(0, 16)] = a_t
        acc_v[r, pl.ds(16, 16)] = a_s1
        acc_v[r, pl.ds(32, 16)] = a_b - a_s1

    plsc.parallel_loop(0, _CLS, unroll=2)(body)
    pltpu.sync_copy(acc_v, out_hbm.at[wid])


def _tc_partials(pred_ref, targ_ref, o_ref, acc_ref):
    i = pl.program_id(0)
    x = pred_ref[...]
    t = targ_ref[...]
    u = jnp.exp(-jnp.abs(x))
    bce = jnp.maximum(x, 0.0) - x * t + _log1p_poly(u)
    s1v = t * bce
    st = jnp.sum(t, axis=1, keepdims=True)
    s1 = jnp.sum(s1v, axis=1, keepdims=True)
    s0 = jnp.sum(bce - s1v, axis=1, keepdims=True)

    @pl.when(i == 0)
    def _():
        acc_ref[...] = jnp.zeros_like(acc_ref)

    acc_ref[:, 0:1] += st
    acc_ref[:, 1:2] += s1
    acc_ref[:, 2:3] += s0

    @pl.when(i == _TSTEPS - 1)
    def _():
        o_ref[...] = acc_ref[...]


def _combine(tc_ref, sc_ref, o_ref):
    s = jnp.sum(sc_ref[...], axis=0)
    tcp = tc_ref[...]
    pos = tcp[:, 0:1] + jnp.sum(s[:, 0:16], axis=1, keepdims=True)
    s1 = tcp[:, 1:2] + jnp.sum(s[:, 16:32], axis=1, keepdims=True)
    s0 = tcp[:, 2:3] + jnp.sum(s[:, 32:48], axis=1, keepdims=True)
    pg = jnp.where(pos >= _BAL, 1.0, 0.0)
    ng = jnp.where((float(_B) - pos) > _BAL, 1.0, 0.0)
    mc = jnp.where(ng == 1.0, pos, float(_B) - pos)
    minf = (float(_B) - _BAL) / jnp.maximum(mc, 1.0)
    w = jnp.where(((1.0 - pg) == ng) & (mc > 0.0), minf, 1.0)
    s = jnp.where(pg == 1.0, s0, s1)
    o_ref[...] = jnp.reshape(jnp.sum(w * s) / float(_N), (1, 1))


def kernel(pred, target):
    pt = pred.T
    tt = target.T
    sc_parts = _sc_partials(pt, tt)
    tc_parts = pl.pallas_call(
        _tc_partials,
        grid=(_TSTEPS,),
        in_specs=[
            pl.BlockSpec((_CLS, _TBLK), lambda i: (0, i)),
            pl.BlockSpec((_CLS, _TBLK), lambda i: (0, i)),
        ],
        out_specs=pl.BlockSpec((_CLS, 8), lambda i: (0, 0)),
        out_shape=jax.ShapeDtypeStruct((_CLS, 8), jnp.float32),
        scratch_shapes=[pltpu.VMEM((_CLS, 8), jnp.float32)],
    )(pt, tt)
    out = pl.pallas_call(
        _combine,
        out_shape=jax.ShapeDtypeStruct((1, 1), jnp.float32),
    )(tc_parts, sc_parts)
    return out[0, 0]

# --- scband reference (transcript-rebuilt; emitter-appended) ---
"""Pipeline reference for scband-balance-loss-17987323036123 (READ-ONLY COPY).

The authoritative reference and input builder live on the scoring server;
editing this copy changes nothing except your own understanding.
"""

import jax, jax.numpy as jnp
import numpy as np

BINS = 10
BALANCE_PROP = 0.3
EDGES = [float(x) / BINS for x in range(BINS + 1)]
EDGES[-1] += 1e-06


def setup_inputs(seed: int = 0) -> dict:
    key = jax.random.key(seed)
    k1, k2 = jax.random.split(key)
    pred = jax.random.normal(k1, (16384, 100), dtype=jnp.float32)
    target = jax.random.randint(k2, (16384, 100), 0, 2).astype(jnp.float32)
    return {"pred": pred, "target": target}


def _bce_with_logits(pred, target):
    # elementwise BCEWithLogitsLoss(reduction='none')
    return jnp.maximum(pred, 0.0) - pred * target + jnp.log1p(jnp.exp(-jnp.abs(pred)))


def _compute_weights(pred, target):
    # weights are built from detached quantities in the torch module
    pred = jax.lax.stop_gradient(pred)
    target = jax.lax.stop_gradient(target)
    B, C = target.shape
    g = jnp.abs(jax.nn.sigmoid(pred) - target)
    # weights start as all ones -> weights.sum(0) == batch size per class
    batch_cur = jnp.full((C,), float(B), dtype=jnp.float32)
    balance_num = BALANCE_PROP * batch_cur
    pos_sum = target.sum(0)
    neg_sum = batch_cur - pos_sum
    pos_gt = (pos_sum >= balance_num).astype(jnp.float32)
    neg_gt = (neg_sum > balance_num).astype(jnp.float32)
    easy = (g >= EDGES[0]) & (g < EDGES[10])
    maj = target == pos_gt[None, :]
    minr = target == neg_gt[None, :]
    w = jnp.ones_like(pred)
    # zero out easy majority samples
    w = jnp.where(easy & maj, 0.0, w)
    # rescale majority rows: balance_num / count(majority)
    maj_cnt = maj.sum(0).astype(jnp.float32)
    w = jnp.where(maj, w * (balance_num / jnp.maximum(maj_cnt, 1.0))[None, :], w)
    # rescale minority rows (only when count > 0)
    min_cnt = minr.sum(0).astype(jnp.float32)
    min_factor = (batch_cur - balance_num) / jnp.maximum(min_cnt, 1.0)
    w = jnp.where(minr & (min_cnt[None, :] > 0), w * min_factor[None, :], w)
    return w


def reference(pred, target):
    w = _compute_weights(pred, target)
    loss = _bce_with_logits(pred, target) * w
    return loss.mean()

if __name__ == "__main__":
    import jax
    _d = setup_inputs()
    print(jax.jit(kernel)(*tuple(_d.values())))

</pallas_src>

<mosaic_0001>
#map = affine_map<(d0, d1) -> (0, 0)>
#map1 = affine_map<(d0, d1) -> (0, 0, 0)>
module attributes {stable_mosaic.version = 14 : i64} {
  func.func @_sc_partials(%arg0: i32, %arg1: i32, %arg2: memref<100x16384xf32, #tpu.memory_space<hbm>>, %arg3: memref<100x16384xf32, #tpu.memory_space<hbm>>, %arg4: memref<32x100x48xf32, #tpu.memory_space<hbm>>, %arg5: memref<100x128xf32, #tpu.memory_space<vmem>>, %arg6: memref<100x128xf32, #tpu.memory_space<vmem>>, %arg7: memref<100x48xf32, #tpu.memory_space<vmem>>, %arg8: memref<!tpu.dma_semaphore, #tpu.memory_space<semaphore_mem>>, %arg9: memref<!tpu.dma_semaphore, #tpu.memory_space<semaphore_mem>>) attributes {dimension_semantics = [#tpu.dimension_semantics<core_parallel>, #tpu.dimension_semantics<subcore_parallel>], iteration_bounds = array<i64: 2, 16>, scalar_prefetch = 0 : i64, scratch_operands = 5 : i64, tpu.core_type = #tpu.core_type<sc_vector_subcore>, window_params = [{transform_indices = #map}, {transform_indices = #map}, {transform_indices = #map1}]} {
    %mul3A = arith.constant 2 : i32
    %mul3A_0 = arith.muli %arg1, %mul3A : i32
    %add3A = arith.addi %mul3A_0, %arg0 : i32
    %mul3A_1 = arith.constant 128 : i32
    %mul3A_2 = arith.muli %add3A, %mul3A_1 : i32
    %add3A_3 = arith.constant 12288 : i32
    %add3A_4 = arith.addi %add3A_3, %mul3A_2 : i32
    %dma_start3A = arith.constant 0 : i32
    %dma_start3A_5 = tpu.memref_slice %arg2[%dma_start3A, %add3A_4] : memref<100x16384xf32, #tpu.memory_space<hbm>> -> memref<100x128xf32, #tpu.memory_space<hbm>>
    %dma_start3A_6 = arith.constant 0 : i32
    %dma_start3A_7 = tpu.memref_slice %arg2[%dma_start3A_6, %add3A_4] : memref<100x16384xf32, #tpu.memory_space<hbm>> -> memref<100x128xf32, #tpu.memory_space<hbm>>
    tpu.enqueue_dma source(%dma_start3A_7 : memref<100x128xf32, #tpu.memory_space<hbm>>) target(%arg5 : memref<100x128xf32, #tpu.memory_space<vmem>>) target_semaphore(%arg8 : memref<!tpu.dma_semaphore, #tpu.memory_space<semaphore_mem>>)
    %dma_start3A_8 = arith.constant 0 : i32
    %dma_start3A_9 = tpu.memref_slice %arg3[%dma_start3A_8, %add3A_4] : memref<100x16384xf32, #tpu.memory_space<hbm>> -> memref<100x128xf32, #tpu.memory_space<hbm>>
    %dma_start3A_10 = arith.constant 0 : i32
    %dma_start3A_11 = tpu.memref_slice %arg3[%dma_start3A_10, %add3A_4] : memref<100x16384xf32, #tpu.memory_space<hbm>> -> memref<100x128xf32, #tpu.memory_space<hbm>>
    tpu.enqueue_dma source(%dma_start3A_11 : memref<100x128xf32, #tpu.memory_space<hbm>>) target(%arg6 : memref<100x128xf32, #tpu.memory_space<vmem>>) target_semaphore(%arg9 : memref<!tpu.dma_semaphore, #tpu.memory_space<semaphore_mem>>)
    %dma_wait3A = arith.constant 0 : i32
    %dma_wait3A_12 = tpu.memref_slice %arg2[%dma_wait3A, %add3A_4] : memref<100x16384xf32, #tpu.memory_space<hbm>> -> memref<100x128xf32, #tpu.memory_space<hbm>>
    %dma_wait3A_13 = arith.constant 0 : i32
    %dma_wait3A_14 = tpu.memref_slice %arg2[%dma_wait3A_13, %add3A_4] : memref<100x16384xf32, #tpu.memory_space<hbm>> -> memref<100x128xf32, #tpu.memory_space<hbm>>
    tpu.wait_dma2 semaphore(%arg8 : memref<!tpu.dma_semaphore, #tpu.memory_space<semaphore_mem>>) src(%dma_wait3A_14 : memref<100x128xf32, #tpu.memory_space<hbm>>) dst(%arg5 : memref<100x128xf32, #tpu.memory_space<vmem>>)
    %dma_wait3A_15 = arith.constant 0 : i32
    %dma_wait3A_16 = tpu.memref_slice %arg3[%dma_wait3A_15, %add3A_4] : memref<100x16384xf32, #tpu.memory_space<hbm>> -> memref<100x128xf32, #tpu.memory_space<hbm>>
    %dma_wait3A_17 = arith.constant 0 : i32
    %dma_wait3A_18 = tpu.memref_slice %arg3[%dma_wait3A_17, %add3A_4] : memref<100x16384xf32, #tpu.memory_space<hbm>> -> memref<100x128xf32, #tpu.memory_space<hbm>>
    tpu.wait_dma2 semaphore(%arg9 : memref<!tpu.dma_semaphore, #tpu.memory_space<semaphore_mem>>) src(%dma_wait3A_18 : memref<100x128xf32, #tpu.memory_space<hbm>>) dst(%arg6 : memref<100x128xf32, #tpu.memory_space<vmem>>)
    %parallel_loop3A = arith.constant 0 : i32
    %parallel_loop3A_19 = arith.constant 100 : i32
    %parallel_loop3A_20 = arith.constant 1 : i32
    scf.for %parallel_loop3A_21 = %parallel_loop3A to %parallel_loop3A_19 step %parallel_loop3A_20  : i32 {
      %parallel_loop3A_22 = arith.index_cast %parallel_loop3A_21 : i32 to index
      %parallel_loop3A_23 = arith.constant 0 : index
      %parallel_loop3A_24 = tpu.vector_load %arg5[%parallel_loop3A_22, %parallel_loop3A_23] {strides = array<i32>} : memref<100x128xf32, #tpu.memory_space<vmem>>, vector<1x16xf32>,
      %parallel_loop3A_25 = vector.shape_cast %parallel_loop3A_24 : vector<1x16xf32> to vector<16xf32>
      %parallel_loop3A_26 = arith.index_cast %parallel_loop3A_21 : i32 to index
      %parallel_loop3A_27 = arith.constant 0 : index
      %parallel_loop3A_28 = tpu.vector_load %arg6[%parallel_loop3A_26, %parallel_loop3A_27] {strides = array<i32>} : memref<100x128xf32, #tpu.memory_space<vmem>>, vector<1x16xf32>,
      %parallel_loop3A_29 = vector.shape_cast %parallel_loop3A_28 : vector<1x16xf32> to vector<16xf32>
      %parallel_loop3A_30 = math.absf %parallel_loop3A_25 : vector<16xf32>
      %parallel_loop3A_31 = arith.constant 0.000000e+00 : f32
      %parallel_loop3A_32 = vector.broadcast %parallel_loop3A_31 : f32 to vector<16xf32>
      %parallel_loop3A_33 = arith.subf %parallel_loop3A_32, %parallel_loop3A_30 : vector<16xf32>
      %parallel_loop3A_34 = math.exp %parallel_loop3A_33 : vector<16xf32>
      %parallel_loop3A_35 = arith.constant 0.000000e+00 : f32
      %parallel_loop3A_36 = vector.broadcast %parallel_loop3A_35 : f32 to vector<16xf32>
      %parallel_loop3A_37 = arith.maximumf %parallel_loop3A_25, %parallel_loop3A_36 : vector<16xf32>
      %parallel_loop3A_38 = arith.mulf %parallel_loop3A_25, %parallel_loop3A_29 : vector<16xf32>
      %parallel_loop3A_39 = arith.subf %parallel_loop3A_37, %parallel_loop3A_38 : vector<16xf32>
      %parallel_loop3A_40 = arith.constant -0.0548628531 : f32
      %parallel_loop3A_41 = vector.broadcast %parallel_loop3A_40 : f32 to vector<16xf32>
      %parallel_loop3A_42 = arith.mulf %parallel_loop3A_34, %parallel_loop3A_41 : vector<16xf32>
      %parallel_loop3A_43 = arith.constant 0.216410443 : f32
      %parallel_loop3A_44 = vector.broadcast %parallel_loop3A_43 : f32 to vector<16xf32>
      %parallel_loop3A_45 = arith.addf %parallel_loop3A_42, %parallel_loop3A_44 : vector<16xf32>
      %parallel_loop3A_46 = arith.mulf %parallel_loop3A_45, %parallel_loop3A_34 : vector<16xf32>
      %parallel_loop3A_47 = arith.constant -0.464072585 : f32
      %parallel_loop3A_48 = vector.broadcast %parallel_loop3A_47 : f32 to vector<16xf32>
      %parallel_loop3A_49 = arith.addf %parallel_loop3A_46, %parallel_loop3A_48 : vector<16xf32>
      %parallel_loop3A_50 = arith.mulf %parallel_loop3A_49, %parallel_loop3A_34 : vector<16xf32>
      %parallel_loop3A_51 = arith.constant 0.99542731 : f32
      %parallel_loop3A_52 = vector.broadcast %parallel_loop3A_51 : f32 to vector<16xf32>
      %parallel_loop3A_53 = arith.addf %parallel_loop3A_50, %parallel_loop3A_52 : vector<16xf32>
      %parallel_loop3A_54 = arith.mulf %parallel_loop3A_53, %parallel_loop3A_34 : vector<16xf32>
      %parallel_loop3A_55 = arith.constant 1.41512181E-4 : f32
      %parallel_loop3A_56 = vector.broadcast %parallel_loop3A_55 : f32 to vector<16xf32>
      %parallel_loop3A_57 = arith.addf %parallel_loop3A_54, %parallel_loop3A_56 : vector<16xf32>
      %parallel_loop3A_58 = arith.addf %parallel_loop3A_39, %parallel_loop3A_57 : vector<16xf32>
      %parallel_loop3A_59 = arith.mulf %parallel_loop3A_29, %parallel_loop3A_58 : vector<16xf32>
      %parallel_loop3A_60 = arith.index_cast %parallel_loop3A_21 : i32 to index
      %parallel_loop3A_61 = arith.constant 16 : index
      %parallel_loop3A_62 = tpu.vector_load %arg5[%parallel_loop3A_60, %parallel_loop3A_61] {strides = array<i32>} : memref<100x128xf32, #tpu.memory_space<vmem>>, vector<1x16xf32>,
      %parallel_loop3A_63 = vector.shape_cast %parallel_loop3A_62 : vector<1x16xf32> to vector<16xf32>
      %parallel_loop3A_64 = arith.index_cast %parallel_loop3A_21 : i32 to index
      %parallel_loop3A_65 = arith.constant 16 : index
      %parallel_loop3A_66 = tpu.vector_load %arg6[%parallel_loop3A_64, %parallel_loop3A_65] {strides = array<i32>} : memref<100x128xf32, #tpu.memory_space<vmem>>, vector<1x16xf32>,
      %parallel_loop3A_67 = vector.shape_cast %parallel_loop3A_66 : vector<1x16xf32> to vector<16xf32>
      %parallel_loop3A_68 = math.absf %parallel_loop3A_63 : vector<16xf32>
      %parallel_loop3A_69 = arith.constant 0.000000e+00 : f32
      %parallel_loop3A_70 = vector.broadcast %parallel_loop3A_69 : f32 to vector<16xf32>
      %parallel_loop3A_71 = arith.subf %parallel_loop3A_70, %parallel_loop3A_68 : vector<16xf32>
      %parallel_loop3A_72 = math.exp %parallel_loop3A_71 : vector<16xf32>
      %parallel_loop3A_73 = arith.constant 0.000000e+00 : f32
      %parallel_loop3A_74 = vector.broadcast %parallel_loop3A_73 : f32 to vector<16xf32>
      %parallel_loop3A_75 = arith.maximumf %parallel_loop3A_63, %parallel_loop3A_74 : vector<16xf32>
      %parallel_loop3A_76 = arith.mulf %parallel_loop3A_63, %parallel_loop3A_67 : vector<16xf32>
      %parallel_loop3A_77 = arith.subf %parallel_loop3A_75, %parallel_loop3A_76 : vector<16xf32>
      %parallel_loop3A_78 = arith.constant -0.0548628531 : f32
      %parallel_loop3A_79 = vector.broadcast %parallel_loop3A_78 : f32 to vector<16xf32>
      %parallel_loop3A_80 = arith.mulf %parallel_loop3A_72, %parallel_loop3A_79 : vector<16xf32>
      %parallel_loop3A_81 = arith.constant 0.216410443 : f32
      %parallel_loop3A_82 = vector.broadcast %parallel_loop3A_81 : f32 to vector<16xf32>
      %parallel_loop3A_83 = arith.addf %parallel_loop3A_80, %parallel_loop3A_82 : vector<16xf32>
      %parallel_loop3A_84 = arith.mulf %parallel_loop3A_83, %parallel_loop3A_72 : vector<16xf32>
      %parallel_loop3A_85 = arith.constant -0.464072585 : f32
      %parallel_loop3A_86 = vector.broadcast %parallel_loop3A_85 : f32 to vector<16xf32>
      %parallel_loop3A_87 = arith.addf %parallel_loop3A_84, %parallel_loop3A_86 : vector<16xf32>
      %parallel_loop3A_88 = arith.mulf %parallel_loop3A_87, %parallel_loop3A_72 : vector<16xf32>
      %parallel_loop3A_89 = arith.constant 0.99542731 : f32
      %parallel_loop3A_90 = vector.broadcast %parallel_loop3A_89 : f32 to vector<16xf32>
      %parallel_loop3A_91 = arith.addf %parallel_loop3A_88, %parallel_loop3A_90 : vector<16xf32>
      %parallel_loop3A_92 = arith.mulf %parallel_loop3A_91, %parallel_loop3A_72 : vector<16xf32>
      %parallel_loop3A_93 = arith.constant 1.41512181E-4 : f32
      %parallel_loop3A_94 = vector.broadcast %parallel_loop3A_93 : f32 to vector<16xf32>
      %parallel_loop3A_95 = arith.addf %parallel_loop3A_92, %parallel_loop3A_94 : vector<16xf32>
      %parallel_loop3A_96 = arith.addf %parallel_loop3A_77, %parallel_loop3A_95 : vector<16xf32>
      %parallel_loop3A_97 = arith.mulf %parallel_loop3A_67, %parallel_loop3A_96 : vector<16xf32>
      %parallel_loop3A_98 = arith.addf %parallel_loop3A_29, %parallel_loop3A_67 : vector<16xf32>
      %parallel_loop3A_99 = arith.addf %parallel_loop3A_58, %parallel_loop3A_96 : vector<16xf32>
      %parallel_loop3A_100 = arith.addf %parallel_loop3A_59, %parallel_loop3A_97 : vector<16xf32>
      %parallel_loop3A_101 = arith.index_cast %parallel_loop3A_21 : i32 to index
      %parallel_loop3A_102 = arith.constant 32 : index
      %parallel_loop3A_103 = tpu.vector_load %arg5[%parallel_loop3A_101, %parallel_loop3A_102] {strides = array<i32>} : memref<100x128xf32, #tpu.memory_space<vmem>>, vector<1x16xf32>,
      %parallel_loop3A_104 = vector.shape_cast %parallel_loop3A_103 : vector<1x16xf32> to vector<16xf32>
      %parallel_loop3A_105 = arith.index_cast %parallel_loop3A_21 : i32 to index
      %parallel_loop3A_106 = arith.constant 32 : index
      %parallel_loop3A_107 = tpu.vector_load %arg6[%parallel_loop3A_105, %parallel_loop3A_106] {strides = array<i32>} : memref<100x128xf32, #tpu.memory_space<vmem>>, vector<1x16xf32>,
      %parallel_loop3A_108 = vector.shape_cast %parallel_loop3A_107 : vector<1x16xf32> to vector<16xf32>
      %parallel_loop3A_109 = math.absf %parallel_loop3A_104 : vector<16xf32>
      %parallel_loop3A_110 = arith.constant 0.000000e+00 : f32
      %parallel_loop3A_111 = vector.broadcast %parallel_loop3A_110 : f32 to vector<16xf32>
      %parallel_loop3A_112 = arith.subf %parallel_loop3A_111, %parallel_loop3A_109 : vector<16xf32>
      %parallel_loop3A_113 = math.exp %parallel_loop3A_112 : vector<16xf32>
      %parallel_loop3A_114 = arith.constant 0.000000e+00 : f32
      %parallel_loop3A_115 = vector.broadcast %parallel_loop3A_114 : f32 to vector<16xf32>
      %parallel_loop3A_116 = arith.maximumf %parallel_loop3A_104, %parallel_loop3A_115 : vector<16xf32>
      %parallel_loop3A_117 = arith.mulf %parallel_loop3A_104, %parallel_loop3A_108 : vector<16xf32>
      %parallel_loop3A_118 = arith.subf %parallel_loop3A_116, %parallel_loop3A_117 : vector<16xf32>
      %parallel_loop3A_119 = arith.constant -0.0548628531 : f32
      %parallel_loop3A_120 = vector.broadcast %parallel_loop3A_119 : f32 to vector<16xf32>
      %parallel_loop3A_121 = arith.mulf %parallel_loop3A_113, %parallel_loop3A_120 : vector<16xf32>
      %parallel_loop3A_122 = arith.constant 0.216410443 : f32
      %parallel_loop3A_123 = vector.broadcast %parallel_loop3A_122 : f32 to vector<16xf32>
      %parallel_loop3A_124 = arith.addf %parallel_loop3A_121, %parallel_loop3A_123 : vector<16xf32>
      %parallel_loop3A_125 = arith.mulf %parallel_loop3A_124, %parallel_loop3A_113 : vector<16xf32>
      %parallel_loop3A_126 = arith.constant -0.464072585 : f32
      %parallel_loop3A_127 = vector.broadcast %parallel_loop3A_126 : f32 to vector<16xf32>
      %parallel_loop3A_128 = arith.addf %parallel_loop3A_125, %parallel_loop3A_127 : vector<16xf32>
      %parallel_loop3A_129 = arith.mulf %parallel_loop3A_128, %parallel_loop3A_113 : vector<16xf32>
      %parallel_loop3A_130 = arith.constant 0.99542731 : f32
      %parallel_loop3A_131 = vector.broadcast %parallel_loop3A_130 : f32 to vector<16xf32>
      %parallel_loop3A_132 = arith.addf %parallel_loop3A_129, %parallel_loop3A_131 : vector<16xf32>
      %parallel_loop3A_133 = arith.mulf %parallel_loop3A_132, %parallel_loop3A_113 : vector<16xf32>
      %parallel_loop3A_134 = arith.constant 1.41512181E-4 : f32
      %parallel_loop3A_135 = vector.broadcast %parallel_loop3A_134 : f32 to vector<16xf32>
      %parallel_loop3A_136 = arith.addf %parallel_loop3A_133, %parallel_loop3A_135 : vector<16xf32>
      %parallel_loop3A_137 = arith.addf %parallel_loop3A_118, %parallel_loop3A_136 : vector<16xf32>
      %parallel_loop3A_138 = arith.mulf %parallel_loop3A_108, %parallel_loop3A_137 : vector<16xf32>
      %parallel_loop3A_139 = arith.addf %parallel_loop3A_98, %parallel_loop3A_108 : vector<16xf32>
      %parallel_loop3A_140 = arith.addf %parallel_loop3A_99, %parallel_loop3A_137 : vector<16xf32>
      %parallel_loop3A_141 = arith.addf %parallel_loop3A_100, %parallel_loop3A_138 : vector<16xf32>
      %parallel_loop3A_142 = arith.index_cast %parallel_loop3A_21 : i32 to index
      %parallel_loop3A_143 = arith.constant 48 : index
      %parallel_loop3A_144 = tpu.vector_load %arg5[%parallel_loop3A_142, %parallel_loop3A_143] {strides = array<i32>} : memref<100x128xf32, #tpu.memory_space<vmem>>, vector<1x16xf32>,
      %parallel_loop3A_145 = vector.shape_cast %parallel_loop3A_144 : vector<1x16xf32> to vector<16xf32>
      %parallel_loop3A_146 = arith.index_cast %parallel_loop3A_21 : i32 to index
      %parallel_loop3A_147 = arith.constant 48 : index
      %parallel_loop3A_148 = tpu.vector_load %arg6[%parallel_loop3A_146, %parallel_loop3A_147] {strides = array<i32>} : memref<100x128xf32, #tpu.memory_space<vmem>>, vector<1x16xf32>,
      %parallel_loop3A_149 = vector.shape_cast %parallel_loop3A_148 : vector<1x16xf32> to vector<16xf32>
      %parallel_loop3A_150 = math.absf %parallel_loop3A_145 : vector<16xf32>
      %parallel_loop3A_151 = arith.constant 0.000000e+00 : f32
      %parallel_loop3A_152 = vector.broadcast %parallel_loop3A_151 : f32 to vector<16xf32>
      %parallel_loop3A_153 = arith.subf %parallel_loop3A_152, %parallel_loop3A_150 : vector<16xf32>
      %parallel_loop3A_154 = math.exp %parallel_loop3A_153 : vector<16xf32>
      %parallel_loop3A_155 = arith.constant 0.000000e+00 : f32
      %parallel_loop3A_156 = vector.broadcast %parallel_loop3A_155 : f32 to vector<16xf32>
      %parallel_loop3A_157 = arith.maximumf %parallel_loop3A_145, %parallel_loop3A_156 : vector<16xf32>
      %parallel_loop3A_158 = arith.mulf %parallel_loop3A_145, %parallel_loop3A_149 : vector<16xf32>
      %parallel_loop3A_159 = arith.subf %parallel_loop3A_157, %parallel_loop3A_158 : vector<16xf32>
      %parallel_loop3A_160 = arith.constant -0.0548628531 : f32
      %parallel_loop3A_161 = vector.broadcast %parallel_loop3A_160 : f32 to vector<16xf32>
      %parallel_loop3A_162 = arith.mulf %parallel_loop3A_154, %parallel_loop3A_161 : vector<16xf32>
      %parallel_loop3A_163 = arith.constant 0.216410443 : f32
      %parallel_loop3A_164 = vector.broadcast %parallel_loop3A_163 : f32 to vector<16xf32>
      %parallel_loop3A_165 = arith.addf %parallel_loop3A_162, %parallel_loop3A_164 : vector<16xf32>
      %parallel_loop3A_166 = arith.mulf %parallel_loop3A_165, %parallel_loop3A_154 : vector<16xf32>
      %parallel_loop3A_167 = arith.constant -0.464072585 : f32
      %parallel_loop3A_168 = vector.broadcast %parallel_loop3A_167 : f32 to vector<16xf32>
      %parallel_loop3A_169 = arith.addf %parallel_loop3A_166, %parallel_loop3A_168 : vector<16xf32>
      %parallel_loop3A_170 = arith.mulf %parallel_loop3A_169, %parallel_loop3A_154 : vector<16xf32>
      %parallel_loop3A_171 = arith.constant 0.99542731 : f32
      %parallel_loop3A_172 = vector.broadcast %parallel_loop3A_171 : f32 to vector<16xf32>
      %parallel_loop3A_173 = arith.addf %parallel_loop3A_170, %parallel_loop3A_172 : vector<16xf32>
      %parallel_loop3A_174 = arith.mulf %parallel_loop3A_173, %parallel_loop3A_154 : vector<16xf32>
      %parallel_loop3A_175 = arith.constant 1.41512181E-4 : f32
      %parallel_loop3A_176 = vector.broadcast %parallel_loop3A_175 : f32 to vector<16xf32>
      %parallel_loop3A_177 = arith.addf %parallel_loop3A_174, %parallel_loop3A_176 : vector<16xf32>
      %parallel_loop3A_178 = arith.addf %parallel_loop3A_159, %parallel_loop3A_177 : vector<16xf32>
      %parallel_loop3A_179 = arith.mulf %parallel_loop3A_149, %parallel_loop3A_178 : vector<16xf32>
      %parallel_loop3A_180 = arith.addf %parallel_loop3A_139, %parallel_loop3A_149 : vector<16xf32>
      %parallel_loop3A_181 = arith.addf %parallel_loop3A_140, %parallel_loop3A_178 : vector<16xf32>
      %parallel_loop3A_182 = arith.addf %parallel_loop3A_141, %parallel_loop3A_179 : vector<16xf32>
      %parallel_loop3A_183 = arith.index_cast %parallel_loop3A_21 : i32 to index
      %parallel_loop3A_184 = arith.constant 64 : index
      %parallel_loop3A_185 = tpu.vector_load %arg5[%parallel_loop3A_183, %parallel_loop3A_184] {strides = array<i32>} : memref<100x128xf32, #tpu.memory_space<vmem>>, vector<1x16xf32>,
      %parallel_loop3A_186 = vector.shape_cast %parallel_loop3A_185 : vector<1x16xf32> to vector<16xf32>
      %parallel_loop3A_187 = arith.index_cast %parallel_loop3A_21 : i32 to index
      %parallel_loop3A_188 = arith.constant 64 : index
      %parallel_loop3A_189 = tpu.vector_load %arg6[%parallel_loop3A_187, %parallel_loop3A_188] {strides = array<i32>} : memref<100x128xf32, #tpu.memory_space<vmem>>, vector<1x16xf32>,
      %parallel_loop3A_190 = vector.shape_cast %parallel_loop3A_189 : vector<1x16xf32> to vector<16xf32>
      %parallel_loop3A_191 = math.absf %parallel_loop3A_186 : vector<16xf32>
      %parallel_loop3A_192 = arith.constant 0.000000e+00 : f32
      %parallel_loop3A_193 = vector.broadcast %parallel_loop3A_192 : f32 to vector<16xf32>
      %parallel_loop3A_194 = arith.subf %parallel_loop3A_193, %parallel_loop3A_191 : vector<16xf32>
      %parallel_loop3A_195 = math.exp %parallel_loop3A_194 : vector<16xf32>
      %parallel_loop3A_196 = arith.constant 0.000000e+00 : f32
      %parallel_loop3A_197 = vector.broadcast %parallel_loop3A_196 : f32 to vector<16xf32>
      %parallel_loop3A_198 = arith.maximumf %parallel_loop3A_186, %parallel_loop3A_197 : vector<16xf32>
      %parallel_loop3A_199 = arith.mulf %parallel_loop3A_186, %parallel_loop3A_190 : vector<16xf32>
      %parallel_loop3A_200 = arith.subf %parallel_loop3A_198, %parallel_loop3A_199 : vector<16xf32>
      %parallel_loop3A_201 = arith.constant -0.0548628531 : f32
      %parallel_loop3A_202 = vector.broadcast %parallel_loop3A_201 : f32 to vector<16xf32>
      %parallel_loop3A_203 = arith.mulf %parallel_loop3A_195, %parallel_loop3A_202 : vector<16xf32>
      %parallel_loop3A_204 = arith.constant 0.216410443 : f32
      %parallel_loop3A_205 = vector.broadcast %parallel_loop3A_204 : f32 to vector<16xf32>
      %parallel_loop3A_206 = arith.addf %parallel_loop3A_203, %parallel_loop3A_205 : vector<16xf32>
      %parallel_loop3A_207 = arith.mulf %parallel_loop3A_206, %parallel_loop3A_195 : vector<16xf32>
      %parallel_loop3A_208 = arith.constant -0.464072585 : f32
      %parallel_loop3A_209 = vector.broadcast %parallel_loop3A_208 : f32 to vector<16xf32>
      %parallel_loop3A_210 = arith.addf %parallel_loop3A_207, %parallel_loop3A_209 : vector<16xf32>
      %parallel_loop3A_211 = arith.mulf %parallel_loop3A_210, %parallel_loop3A_195 : vector<16xf32>
      %parallel_loop3A_212 = arith.constant 0.99542731 : f32
      %parallel_loop3A_213 = vector.broadcast %parallel_loop3A_212 : f32 to vector<16xf32>
      %parallel_loop3A_214 = arith.addf %parallel_loop3A_211, %parallel_loop3A_213 : vector<16xf32>
      %parallel_loop3A_215 = arith.mulf %parallel_loop3A_214, %parallel_loop3A_195 : vector<16xf32>
      %parallel_loop3A_216 = arith.constant 1.41512181E-4 : f32
      %parallel_loop3A_217 = vector.broadcast %parallel_loop3A_216 : f32 to vector<16xf32>
      %parallel_loop3A_218 = arith.addf %parallel_loop3A_215, %parallel_loop3A_217 : vector<16xf32>
      %parallel_loop3A_219 = arith.addf %parallel_loop3A_200, %parallel_loop3A_218 : vector<16xf32>
      %parallel_loop3A_220 = arith.mulf %parallel_loop3A_190, %parallel_loop3A_219 : vector<16xf32>
      %parallel_loop3A_221 = arith.addf %parallel_loop3A_180, %parallel_loop3A_190 : vector<16xf32>
      %parallel_loop3A_222 = arith.addf %parallel_loop3A_181, %parallel_loop3A_219 : vector<16xf32>
      %parallel_loop3A_223 = arith.addf %parallel_loop3A_182, %parallel_loop3A_220 : vector<16xf32>
      %parallel_loop3A_224 = arith.index_cast %parallel_loop3A_21 : i32 to index
      %parallel_loop3A_225 = arith.constant 80 : index
      %parallel_loop3A_226 = tpu.vector_load %arg5[%parallel_loop3A_224, %parallel_loop3A_225] {strides = array<i32>} : memref<100x128xf32, #tpu.memory_space<vmem>>, vector<1x16xf32>,
      %parallel_loop3A_227 = vector.shape_cast %parallel_loop3A_226 : vector<1x16xf32> to vector<16xf32>
      %parallel_loop3A_228 = arith.index_cast %parallel_loop3A_21 : i32 to index
      %parallel_loop3A_229 = arith.constant 80 : index
      %parallel_loop3A_230 = tpu.vector_load %arg6[%parallel_loop3A_228, %parallel_loop3A_229] {strides = array<i32>} : memref<100x128xf32, #tpu.memory_space<vmem>>, vector<1x16xf32>,
      %parallel_loop3A_231 = vector.shape_cast %parallel_loop3A_230 : vector<1x16xf32> to vector<16xf32>
      %parallel_loop3A_232 = math.absf %parallel_loop3A_227 : vector<16xf32>
      %parallel_loop3A_233 = arith.constant 0.000000e+00 : f32
      %parallel_loop3A_234 = vector.broadcast %parallel_loop3A_233 : f32 to vector<16xf32>
      %parallel_loop3A_235 = arith.subf %parallel_loop3A_234, %parallel_loop3A_232 : vector<16xf32>
      %parallel_loop3A_236 = math.exp %parallel_loop3A_235 : vector<16xf32>
      %parallel_loop3A_237 = arith.constant 0.000000e+00 : f32
      %parallel_loop3A_238 = vector.broadcast %parallel_loop3A_237 : f32 to vector<16xf32>
      %parallel_loop3A_239 = arith.maximumf %parallel_loop3A_227, %parallel_loop3A_238 : vector<16xf32>
      %parallel_loop3A_240 = arith.mulf %parallel_loop3A_227, %parallel_loop3A_231 : vector<16xf32>
      %parallel_loop3A_241 = arith.subf %parallel_loop3A_239, %parallel_loop3A_240 : vector<16xf32>
      %parallel_loop3A_242 = arith.constant -0.0548628531 : f32
      %parallel_loop3A_243 = vector.broadcast %parallel_loop3A_242 : f32 to vector<16xf32>
      %parallel_loop3A_244 = arith.mulf %parallel_loop3A_236, %parallel_loop3A_243 : vector<16xf32>
      %parallel_loop3A_245 = arith.constant 0.216410443 : f32
      %parallel_loop3A_246 = vector.broadcast %parallel_loop3A_245 : f32 to vector<16xf32>
      %parallel_loop3A_247 = arith.addf %parallel_loop3A_244, %parallel_loop3A_246 : vector<16xf32>
      %parallel_loop3A_248 = arith.mulf %parallel_loop3A_247, %parallel_loop3A_236 : vector<16xf32>
      %parallel_loop3A_249 = arith.constant -0.464072585 : f32
      %parallel_loop3A_250 = vector.broadcast %parallel_loop3A_249 : f32 to vector<16xf32>
      %parallel_loop3A_251 = arith.addf %parallel_loop3A_248, %parallel_loop3A_250 : vector<16xf32>
      %parallel_loop3A_252 = arith.mulf %parallel_loop3A_251, %parallel_loop3A_236 : vector<16xf32>
      %parallel_loop3A_253 = arith.constant 0.99542731 : f32
      %parallel_loop3A_254 = vector.broadcast %parallel_loop3A_253 : f32 to vector<16xf32>
      %parallel_loop3A_255 = arith.addf %parallel_loop3A_252, %parallel_loop3A_254 : vector<16xf32>
      %parallel_loop3A_256 = arith.mulf %parallel_loop3A_255, %parallel_loop3A_236 : vector<16xf32>
      %parallel_loop3A_257 = arith.constant 1.41512181E-4 : f32
      %parallel_loop3A_258 = vector.broadcast %parallel_loop3A_257 : f32 to vector<16xf32>
      %parallel_loop3A_259 = arith.addf %parallel_loop3A_256, %parallel_loop3A_258 : vector<16xf32>
      %parallel_loop3A_260 = arith.addf %parallel_loop3A_241, %parallel_loop3A_259 : vector<16xf32>
      %parallel_loop3A_261 = arith.mulf %parallel_loop3A_231, %parallel_loop3A_260 : vector<16xf32>
      %parallel_loop3A_262 = arith.addf %parallel_loop3A_221, %parallel_loop3A_231 : vector<16xf32>
      %parallel_loop3A_263 = arith.addf %parallel_loop3A_222, %parallel_loop3A_260 : vector<16xf32>
      %parallel_loop3A_264 = arith.addf %parallel_loop3A_223, %parallel_loop3A_261 : vector<16xf32>
      %parallel_loop3A_265 = arith.index_cast %parallel_loop3A_21 : i32 to index
      %parallel_loop3A_266 = arith.constant 96 : index
      %parallel_loop3A_267 = tpu.vector_load %arg5[%parallel_loop3A_265, %parallel_loop3A_266] {strides = array<i32>} : memref<100x128xf32, #tpu.memory_space<vmem>>, vector<1x16xf32>,
      %parallel_loop3A_268 = vector.shape_cast %parallel_loop3A_267 : vector<1x16xf32> to vector<16xf32>
      %parallel_loop3A_269 = arith.index_cast %parallel_loop3A_21 : i32 to index
      %parallel_loop3A_270 = arith.constant 96 : index
      %parallel_loop3A_271 = tpu.vector_load %arg6[%parallel_loop3A_269, %parallel_loop3A_270] {strides = array<i32>} : memref<100x128xf32, #tpu.memory_space<vmem>>, vector<1x16xf32>,
      %parallel_loop3A_272 = vector.shape_cast %parallel_loop3A_271 : vector<1x16xf32> to vector<16xf32>
      %parallel_loop3A_273 = math.absf %parallel_loop3A_268 : vector<16xf32>
      %parallel_loop3A_274 = arith.constant 0.000000e+00 : f32
      %parallel_loop3A_275 = vector.broadcast %parallel_loop3A_274 : f32 to vector<16xf32>
      %parallel_loop3A_276 = arith.subf %parallel_loop3A_275, %parallel_loop3A_273 : vector<16xf32>
      %parallel_loop3A_277 = math.exp %parallel_loop3A_276 : vector<16xf32>
      %parallel_loop3A_278 = arith.constant 0.000000e+00 : f32
      %parallel_loop3A_279 = vector.broadcast %parallel_loop3A_278 : f32 to vector<16xf32>
      %parallel_loop3A_280 = arith.maximumf %parallel_loop3A_268, %parallel_loop3A_279 : vector<16xf32>
      %parallel_loop3A_281 = arith.mulf %parallel_loop3A_268, %parallel_loop3A_272 : vector<16xf32>
      %parallel_loop3A_282 = arith.subf %parallel_loop3A_280, %parallel_loop3A_281 : vector<16xf32>
      %parallel_loop3A_283 = arith.constant -0.0548628531 : f32
      %parallel_loop3A_284 = vector.broadcast %parallel_loop3A_283 : f32 to vector<16xf32>
      %parallel_loop3A_285 = arith.mulf %parallel_loop3A_277, %parallel_loop3A_284 : vector<16xf32>
      %parallel_loop3A_286 = arith.constant 0.216410443 : f32
      %parallel_loop3A_287 = vector.broadcast %parallel_loop3A_286 : f32 to vector<16xf32>
      %parallel_loop3A_288 = arith.addf %parallel_loop3A_285, %parallel_loop3A_287 : vector<16xf32>
      %parallel_loop3A_289 = arith.mulf %parallel_loop3A_288, %parallel_loop3A_277 : vector<16xf32>
      %parallel_loop3A_290 = arith.constant -0.464072585 : f32
      %parallel_loop3A_291 = vector.broadcast %parallel_loop3A_290 : f32 to vector<16xf32>
      %parallel_loop3A_292 = arith.addf %parallel_loop3A_289, %parallel_loop3A_291 : vector<16xf32>
      %parallel_loop3A_293 = arith.mulf %parallel_loop3A_292, %parallel_loop3A_277 : vector<16xf32>
      %parallel_loop3A_294 = arith.constant 0.99542731 : f32
      %parallel_loop3A_295 = vector.broadcast %parallel_loop3A_294 : f32 to vector<16xf32>
      %parallel_loop3A_296 = arith.addf %parallel_loop3A_293, %parallel_loop3A_295 : vector<16xf32>
      %parallel_loop3A_297 = arith.mulf %parallel_loop3A_296, %parallel_loop3A_277 : vector<16xf32>
      %parallel_loop3A_298 = arith.constant 1.41512181E-4 : f32
      %parallel_loop3A_299 = vector.broadcast %parallel_loop3A_298 : f32 to vector<16xf32>
      %parallel_loop3A_300 = arith.addf %parallel_loop3A_297, %parallel_loop3A_299 : vector<16xf32>
      %parallel_loop3A_301 = arith.addf %parallel_loop3A_282, %parallel_loop3A_300 : vector<16xf32>
      %parallel_loop3A_302 = arith.mulf %parallel_loop3A_272, %parallel_loop3A_301 : vector<16xf32>
      %parallel_loop3A_303 = arith.addf %parallel_loop3A_262, %parallel_loop3A_272 : vector<16xf32>
      %parallel_loop3A_304 = arith.addf %parallel_loop3A_263, %parallel_loop3A_301 : vector<16xf32>
      %parallel_loop3A_305 = arith.addf %parallel_loop3A_264, %parallel_loop3A_302 : vector<16xf32>
      %parallel_loop3A_306 = arith.index_cast %parallel_loop3A_21 : i32 to index
      %parallel_loop3A_307 = arith.constant 112 : index
      %parallel_loop3A_308 = tpu.vector_load %arg5[%parallel_loop3A_306, %parallel_loop3A_307] {strides = array<i32>} : memref<100x128xf32, #tpu.memory_space<vmem>>, vector<1x16xf32>,
      %parallel_loop3A_309 = vector.shape_cast %parallel_loop3A_308 : vector<1x16xf32> to vector<16xf32>
      %parallel_loop3A_310 = arith.index_cast %parallel_loop3A_21 : i32 to index
      %parallel_loop3A_311 = arith.constant 112 : index
      %parallel_loop3A_312 = tpu.vector_load %arg6[%parallel_loop3A_310, %parallel_loop3A_311] {strides = array<i32>} : memref<100x128xf32, #tpu.memory_space<vmem>>, vector<1x16xf32>,
      %parallel_loop3A_313 = vector.shape_cast %parallel_loop3A_312 : vector<1x16xf32> to vector<16xf32>
      %parallel_loop3A_314 = math.absf %parallel_loop3A_309 : vector<16xf32>
      %parallel_loop3A_315 = arith.constant 0.000000e+00 : f32
      %parallel_loop3A_316 = vector.broadcast %parallel_loop3A_315 : f32 to vector<16xf32>
      %parallel_loop3A_317 = arith.subf %parallel_loop3A_316, %parallel_loop3A_314 : vector<16xf32>
      %parallel_loop3A_318 = math.exp %parallel_loop3A_317 : vector<16xf32>
      %parallel_loop3A_319 = arith.constant 0.000000e+00 : f32
      %parallel_loop3A_320 = vector.broadcast %parallel_loop3A_319 : f32 to vector<16xf32>
      %parallel_loop3A_321 = arith.maximumf %parallel_loop3A_309, %parallel_loop3A_320 : vector<16xf32>
      %parallel_loop3A_322 = arith.mulf %parallel_loop3A_309, %parallel_loop3A_313 : vector<16xf32>
      %parallel_loop3A_323 = arith.subf %parallel_loop3A_321, %parallel_loop3A_322 : vector<16xf32>
      %parallel_loop3A_324 = arith.constant -0.0548628531 : f32
      %parallel_loop3A_325 = vector.broadcast %parallel_loop3A_324 : f32 to vector<16xf32>
      %parallel_loop3A_326 = arith.mulf %parallel_loop3A_318, %parallel_loop3A_325 : vector<16xf32>
      %parallel_loop3A_327 = arith.constant 0.216410443 : f32
      %parallel_loop3A_328 = vector.broadcast %parallel_loop3A_327 : f32 to vector<16xf32>
      %parallel_loop3A_329 = arith.addf %parallel_loop3A_326, %parallel_loop3A_328 : vector<16xf32>
      %parallel_loop3A_330 = arith.mulf %parallel_loop3A_329, %parallel_loop3A_318 : vector<16xf32>
      %parallel_loop3A_331 = arith.constant -0.464072585 : f32
      %parallel_loop3A_332 = vector.broadcast %parallel_loop3A_331 : f32 to vector<16xf32>
      %parallel_loop3A_333 = arith.addf %parallel_loop3A_330, %parallel_loop3A_332 : vector<16xf32>
      %parallel_loop3A_334 = arith.mulf %parallel_loop3A_333, %parallel_loop3A_318 : vector<16xf32>
      %parallel_loop3A_335 = arith.constant 0.99542731 : f32
      %parallel_loop3A_336 = vector.broadcast %parallel_loop3A_335 : f32 to vector<16xf32>
      %parallel_loop3A_337 = arith.addf %parallel_loop3A_334, %parallel_loop3A_336 : vector<16xf32>
      %parallel_loop3A_338 = arith.mulf %parallel_loop3A_337, %parallel_loop3A_318 : vector<16xf32>
      %parallel_loop3A_339 = arith.constant 1.41512181E-4 : f32
      %parallel_loop3A_340 = vector.broadcast %parallel_loop3A_339 : f32 to vector<16xf32>
      %parallel_loop3A_341 = arith.addf %parallel_loop3A_338, %parallel_loop3A_340 : vector<16xf32>
      %parallel_loop3A_342 = arith.addf %parallel_loop3A_323, %parallel_loop3A_341 : vector<16xf32>
      %parallel_loop3A_343 = arith.mulf %parallel_loop3A_313, %parallel_loop3A_342 : vector<16xf32>
      %parallel_loop3A_344 = arith.addf %parallel_loop3A_303, %parallel_loop3A_313 : vector<16xf32>
      %parallel_loop3A_345 = arith.addf %parallel_loop3A_304, %parallel_loop3A_342 : vector<16xf32>
      %parallel_loop3A_346 = arith.addf %parallel_loop3A_305, %parallel_loop3A_343 : vector<16xf32>
      %parallel_loop3A_347 = arith.index_cast %parallel_loop3A_21 : i32 to index
      %parallel_loop3A_348 = arith.constant 0 : index
      %parallel_loop3A_349 = tpu.vector_load %arg7[%parallel_loop3A_347, %parallel_loop3A_348] {strides = array<i32>} : memref<100x48xf32, #tpu.memory_space<vmem>>, vector<1x16xf32>,
      %parallel_loop3A_350 = vector.shape_cast %parallel_loop3A_349 : vector<1x16xf32> to vector<16xf32>
      %parallel_loop3A_351 = vector.shape_cast %parallel_loop3A_344 : vector<16xf32> to vector<1x16xf32>
      tpu.vector_store %arg7[%parallel_loop3A_347, %parallel_loop3A_348], %parallel_loop3A_351 {strides = array<i32>} : memref<100x48xf32, #tpu.memory_space<vmem>>, vector<1x16xf32>,
      %parallel_loop3A_352 = arith.index_cast %parallel_loop3A_21 : i32 to index
      %parallel_loop3A_353 = arith.constant 16 : index
      %parallel_loop3A_354 = tpu.vector_load %arg7[%parallel_loop3A_352, %parallel_loop3A_353] {strides = array<i32>} : memref<100x48xf32, #tpu.memory_space<vmem>>, vector<1x16xf32>,
      %parallel_loop3A_355 = vector.shape_cast %parallel_loop3A_354 : vector<1x16xf32> to vector<16xf32>
      %parallel_loop3A_356 = vector.shape_cast %parallel_loop3A_346 : vector<16xf32> to vector<1x16xf32>
      tpu.vector_store %arg7[%parallel_loop3A_352, %parallel_loop3A_353], %parallel_loop3A_356 {strides = array<i32>} : memref<100x48xf32, #tpu.memory_space<vmem>>, vector<1x16xf32>,
      %parallel_loop3A_357 = arith.subf %parallel_loop3A_345, %parallel_loop3A_346 : vector<16xf32>
      %parallel_loop3A_358 = arith.index_cast %parallel_loop3A_21 : i32 to index
      %parallel_loop3A_359 = arith.constant 32 : index
      %parallel_loop3A_360 = tpu.vector_load %arg7[%parallel_loop3A_358, %parallel_loop3A_359] {strides = array<i32>} : memref<100x48xf32, #tpu.memory_space<vmem>>, vector<1x16xf32>,
      %parallel_loop3A_361 = vector.shape_cast %parallel_loop3A_360 : vector<1x16xf32> to vector<16xf32>
      %parallel_loop3A_362 = vector.shape_cast %parallel_loop3A_357 : vector<16xf32> to vector<1x16xf32>
      tpu.vector_store %arg7[%parallel_loop3A_358, %parallel_loop3A_359], %parallel_loop3A_362 {strides = array<i32>} : memref<100x48xf32, #tpu.memory_space<vmem>>, vector<1x16xf32>,
    } {sc.loop_unroll_factor = 2 : i64, sc.parallel_access}
    "tpu.region"() ({
      %run_scoped3A = tpu.sem_alloc : memref<!tpu.dma_semaphore, #tpu.memory_space<semaphore_mem>>
      %dma_start3A_21 = arith.constant 0 : i32
      %dma_start3A_22 = arith.constant 0 : i32
      %dma_start3A_23 = tpu.memref_slice %arg4[%add3A, %dma_start3A_21, %dma_start3A_22] : memref<32x100x48xf32, #tpu.memory_space<hbm>> -> memref<1x100x48xf32, #tpu.memory_space<hbm>>
      %dma_start3A_24 = tpu.memref_squeeze %dma_start3A_23 : memref<1x100x48xf32, #tpu.memory_space<hbm>> -> memref<100x48xf32, #tpu.memory_space<hbm>>
      %dma_start3A_25 = arith.constant 0 : i32
      %dma_start3A_26 = arith.constant 0 : i32
      %dma_start3A_27 = tpu.memref_slice %arg4[%add3A, %dma_start3A_25, %dma_start3A_26] : memref<32x100x48xf32, #tpu.memory_space<hbm>> -> memref<1x100x48xf32, #tpu.memory_space<hbm>>
      %dma_start3A_28 = tpu.memref_squeeze %dma_start3A_27 : memref<1x100x48xf32, #tpu.memory_space<hbm>> -> memref<100x48xf32, #tpu.memory_space<hbm>>
      tpu.enqueue_dma source(%arg7 : memref<100x48xf32, #tpu.memory_space<vmem>>) target(%dma_start3A_28 : memref<100x48xf32, #tpu.memory_space<hbm>>) target_semaphore(%run_scoped3A : memref<!tpu.dma_semaphore, #tpu.memory_space<semaphore_mem>>)
      %dma_wait3A_29 = arith.constant 0 : i32
      %dma_wait3A_30 = arith.constant 0 : i32
      %dma_wait3A_31 = tpu.memref_slice %arg4[%add3A, %dma_wait3A_29, %dma_wait3A_30] : memref<32x100x48xf32, #tpu.memory_space<hbm>> -> memref<1x100x48xf32, #tpu.memory_space<hbm>>
      %dma_wait3A_32 = tpu.memref_squeeze %dma_wait3A_31 : memref<1x100x48xf32, #tpu.memory_space<hbm>> -> memref<100x48xf32, #tpu.memory_space<hbm>>
      %dma_wait3A_33 = arith.constant 0 : i32
      %dma_wait3A_34 = arith.constant 0 : i32
      %dma_wait3A_35 = tpu.memref_slice %arg4[%add3A, %dma_wait3A_33, %dma_wait3A_34] : memref<32x100x48xf32, #tpu.memory_space<hbm>> -> memref<1x100x48xf32, #tpu.memory_space<hbm>>
      %dma_wait3A_36 = tpu.memref_squeeze %dma_wait3A_35 : memref<1x100x48xf32, #tpu.memory_space<hbm>> -> memref<100x48xf32, #tpu.memory_space<hbm>>
      tpu.wait_dma2 semaphore(%run_scoped3A : memref<!tpu.dma_semaphore, #tpu.memory_space<semaphore_mem>>) src(%arg7 : memref<100x48xf32, #tpu.memory_space<vmem>>) dst(%dma_wait3A_36 : memref<100x48xf32, #tpu.memory_space<hbm>>)
      tpu.yield
    }) : () -> ()
    return
  }
}

module attributes {stable_mosaic.version = 14 : i64} {
  func.func @_combine(%arg0: memref<100x8xf32, #tpu.memory_space<vmem>>, %arg1: memref<32x100x48xf32, #tpu.memory_space<vmem>>, %arg2: memref<1x1xf32, #tpu.memory_space<vmem>>) attributes {dimension_semantics = [], scalar_prefetch = 0 : i64, scratch_operands = 0 : i64, tpu.core_type = #tpu.core_type<tc>} {
    %get3A = arith.constant 0 : index
    %get3A_0 = arith.constant 0 : index
    %get3A_1 = arith.constant 0 : index
    %get3A_2 = vector.load %arg1[%get3A, %get3A_0, %get3A_1] : memref<32x100x48xf32, #tpu.memory_space<vmem>>, vector<32x100x48xf32>
    %reduce_sum3A = arith.constant dense<0.000000e+00> : vector<100x48xf32>
    %reduce_sum3A_3 = vector.multi_reduction <add>, %get3A_2, %reduce_sum3A [0] : vector<32x100x48xf32> to vector<100x48xf32>
    %get3A_4 = arith.constant 0 : index
    %get3A_5 = arith.constant 0 : index
    %get3A_6 = vector.load %arg0[%get3A_4, %get3A_5] : memref<100x8xf32, #tpu.memory_space<vmem>>, vector<100x8xf32>
    %slice3A = vector.extract_strided_slice %get3A_6 {offsets = [0, 0], sizes = [100, 1], strides = [1, 1]} : vector<100x8xf32> to vector<100x1xf32>
    %slice3A_7 = vector.extract_strided_slice %reduce_sum3A_3 {offsets = [0, 0], sizes = [100, 16], strides = [1, 1]} : vector<100x48xf32> to vector<100x16xf32>
    %reduce_sum3A_8 = arith.constant dense<0.000000e+00> : vector<100xf32>
    %reduce_sum3A_9 = vector.multi_reduction <add>, %slice3A_7, %reduce_sum3A_8 [1] : vector<100x16xf32> to vector<100xf32>
    %broadcast_in_dim3A = vector.shape_cast %reduce_sum3A_9 : vector<100xf32> to vector<100x1xf32>
    %add3A = arith.addf %slice3A, %broadcast_in_dim3A : vector<100x1xf32>
    %slice3A_10 = vector.extract_strided_slice %get3A_6 {offsets = [0, 1], sizes = [100, 1], strides = [1, 1]} : vector<100x8xf32> to vector<100x1xf32>
    %slice3A_11 = vector.extract_strided_slice %reduce_sum3A_3 {offsets = [0, 16], sizes = [100, 16], strides = [1, 1]} : vector<100x48xf32> to vector<100x16xf32>
    %reduce_sum3A_12 = arith.constant dense<0.000000e+00> : vector<100xf32>
    %reduce_sum3A_13 = vector.multi_reduction <add>, %slice3A_11, %reduce_sum3A_12 [1] : vector<100x16xf32> to vector<100xf32>
    %broadcast_in_dim3A_14 = vector.shape_cast %reduce_sum3A_13 : vector<100xf32> to vector<100x1xf32>
    %add3A_15 = arith.addf %slice3A_10, %broadcast_in_dim3A_14 : vector<100x1xf32>
    %slice3A_16 = vector.extract_strided_slice %get3A_6 {offsets = [0, 2], sizes = [100, 1], strides = [1, 1]} : vector<100x8xf32> to vector<100x1xf32>
    %slice3A_17 = vector.extract_strided_slice %reduce_sum3A_3 {offsets = [0, 32], sizes = [100, 16], strides = [1, 1]} : vector<100x48xf32> to vector<100x16xf32>
    %reduce_sum3A_18 = arith.constant dense<0.000000e+00> : vector<100xf32>
    %reduce_sum3A_19 = vector.multi_reduction <add>, %slice3A_17, %reduce_sum3A_18 [1] : vector<100x16xf32> to vector<100xf32>
    %broadcast_in_dim3A_20 = vector.shape_cast %reduce_sum3A_19 : vector<100xf32> to vector<100x1xf32>
    %add3A_21 = arith.addf %slice3A_16, %broadcast_in_dim3A_20 : vector<100x1xf32>
    %ge3A = arith.constant 4.915200e+03 : f32
    %ge3A_22 = vector.broadcast %ge3A : f32 to vector<100x1xf32>
    %ge3A_23 = arith.cmpf oge, %add3A, %ge3A_22 : vector<100x1xf32>
    %jit3A = arith.constant 1.000000e+00 : f32
    %jit3A_24 = arith.constant 0.000000e+00 : f32
    %broadcast_in_dim3A_25 = vector.broadcast %jit3A : f32 to vector<100x1xf32>
    %broadcast_in_dim3A_26 = vector.broadcast %jit3A_24 : f32 to vector<100x1xf32>
    %select_n3A = arith.select %ge3A_23, %broadcast_in_dim3A_25, %broadcast_in_dim3A_26 : vector<100x1xi1>, vector<100x1xf32>
    %sub3A = arith.constant 1.638400e+04 : f32
    %sub3A_27 = vector.broadcast %sub3A : f32 to vector<100x1xf32>
    %sub3A_28 = arith.subf %sub3A_27, %add3A : vector<100x1xf32>
    %gt3A = arith.constant 4.915200e+03 : f32
    %gt3A_29 = vector.broadcast %gt3A : f32 to vector<100x1xf32>
    %gt3A_30 = arith.cmpf ogt, %sub3A_28, %gt3A_29 : vector<100x1xf32>
    %jit3A_31 = arith.constant 1.000000e+00 : f32
    %jit3A_32 = arith.constant 0.000000e+00 : f32
    %broadcast_in_dim3A_33 = vector.broadcast %jit3A_31 : f32 to vector<100x1xf32>
    %broadcast_in_dim3A_34 = vector.broadcast %jit3A_32 : f32 to vector<100x1xf32>
    %select_n3A_35 = arith.select %gt3A_30, %broadcast_in_dim3A_33, %broadcast_in_dim3A_34 : vector<100x1xi1>, vector<100x1xf32>
    %eq3A = arith.constant 1.000000e+00 : f32
    %eq3A_36 = vector.broadcast %eq3A : f32 to vector<100x1xf32>
    %eq3A_37 = arith.cmpf oeq, %select_n3A_35, %eq3A_36 : vector<100x1xf32>
    %sub3A_38 = arith.constant 1.638400e+04 : f32
    %sub3A_39 = vector.broadcast %sub3A_38 : f32 to vector<100x1xf32>
    %sub3A_40 = arith.subf %sub3A_39, %add3A : vector<100x1xf32>
    %select_n3A_41 = arith.select %eq3A_37, %add3A, %sub3A_40 : vector<100x1xi1>, vector<100x1xf32>
    %max3A = arith.constant 1.000000e+00 : f32
    %max3A_42 = vector.broadcast %max3A : f32 to vector<100x1xf32>
    %max3A_43 = arith.maximumf %select_n3A_41, %max3A_42 : vector<100x1xf32>
    %div3A = arith.constant 1.146880e+04 : f32
    %div3A_44 = vector.broadcast %div3A : f32 to vector<100x1xf32>
    %div3A_45 = arith.divf %div3A_44, %max3A_43 : vector<100x1xf32>
    %sub3A_46 = arith.constant 1.000000e+00 : f32
    %sub3A_47 = vector.broadcast %sub3A_46 : f32 to vector<100x1xf32>
    %sub3A_48 = arith.subf %sub3A_47, %select_n3A : vector<100x1xf32>
    %eq3A_49 = arith.cmpf oeq, %sub3A_48, %select_n3A_35 : vector<100x1xf32>
    %gt3A_50 = arith.constant 0.000000e+00 : f32
    %gt3A_51 = vector.broadcast %gt3A_50 : f32 to vector<100x1xf32>
    %gt3A_52 = arith.cmpf ogt, %select_n3A_41, %gt3A_51 : vector<100x1xf32>
    %and3A = arith.andi %eq3A_49, %gt3A_52 : vector<100x1xi1>
    %jit3A_53 = arith.constant 1.000000e+00 : f32
    %broadcast_in_dim3A_54 = vector.broadcast %jit3A_53 : f32 to vector<100x1xf32>
    %select_n3A_55 = arith.select %and3A, %div3A_45, %broadcast_in_dim3A_54 : vector<100x1xi1>, vector<100x1xf32>
    %eq3A_56 = arith.constant 1.000000e+00 : f32
    %eq3A_57 = vector.broadcast %eq3A_56 : f32 to vector<100x1xf32>
    %eq3A_58 = arith.cmpf oeq, %select_n3A, %eq3A_57 : vector<100x1xf32>
    %select_n3A_59 = arith.select %eq3A_58, %add3A_21, %add3A_15 : vector<100x1xi1>, vector<100x1xf32>
    %mul3A = arith.mulf %select_n3A_55, %select_n3A_59 : vector<100x1xf32>
    %reduce_sum3A_60 = vector.shape_cast %mul3A : vector<100x1xf32> to vector<1x100x1xf32>
    %reduce_sum3A_61 = arith.constant dense<0.000000e+00> : vector<1xf32>
    %reduce_sum3A_62 = vector.multi_reduction <add>, %reduce_sum3A_60, %reduce_sum3A_61 [1, 2] : vector<1x100x1xf32> to vector<1xf32>
    %reduce_sum3A_63 = vector.shape_cast %reduce_sum3A_62 : vector<1xf32> to vector<1x1x1xf32>
    %reduce_sum3A_64 = vector.extract %reduce_sum3A_63[0, 0, 0] : f32 from vector<1x1x1xf32>
    %div3A_65 = arith.constant 1.638400e+06 : f32
    %div3A_66 = arith.divf %reduce_sum3A_64, %div3A_65 : f32
    %reshape3A = vector.broadcast %div3A_66 : f32 to vector<1x1xf32>
    %swap3A = arith.constant 0 : index
    %swap3A_67 = arith.constant 0 : index
    %swap3A_68 = vector.load %arg2[%swap3A, %swap3A_67] : memref<1x1xf32, #tpu.memory_space<vmem>>, vector<1x1xf32>
    tpu.vector_store %arg2[%swap3A, %swap3A_67], %reshape3A {strides = array<i32>} : memref<1x1xf32, #tpu.memory_space<vmem>>, vector<1x1xf32>,
    return
  }
}

module attributes {stable_mosaic.version = 14 : i64} {
  func.func @_tc_partials(%arg0: i32, %arg1: memref<100x2048xf32, #tpu.memory_space<vmem>>, %arg2: memref<100x2048xf32, #tpu.memory_space<vmem>>, %arg3: memref<100x8xf32, #tpu.memory_space<vmem>>, %arg4: memref<100x8xf32, #tpu.memory_space<vmem>>) attributes {dimension_semantics = [#tpu.dimension_semantics<arbitrary>], iteration_bounds = array<i64: 6>, scalar_prefetch = 0 : i64, scratch_operands = 1 : i64, tpu.core_type = #tpu.core_type<tc>, window_params = [{transform_indices = @transform_0, window_bounds = array<i64: 100, 2048>}, {transform_indices = @transform_1, window_bounds = array<i64: 100, 2048>}, {pipeline_mode = #tpu.pipeline_mode<synchronous>, transform_indices = @transform_2, window_bounds = array<i64: 100, 8>}]} {
    %get3A = arith.constant 0 : index
    %get3A_0 = arith.constant 0 : index
    %get3A_1 = vector.load %arg1[%get3A, %get3A_0] : memref<100x2048xf32, #tpu.memory_space<vmem>>, vector<100x2048xf32>
    %get3A_2 = arith.constant 0 : index
    %get3A_3 = arith.constant 0 : index
    %get3A_4 = vector.load %arg2[%get3A_2, %get3A_3] : memref<100x2048xf32, #tpu.memory_space<vmem>>, vector<100x2048xf32>
    %abs3A = math.absf %get3A_1 : vector<100x2048xf32>
    %neg3A = arith.constant 0.000000e+00 : f32
    %neg3A_5 = vector.broadcast %neg3A : f32 to vector<100x2048xf32>
    %neg3A_6 = arith.subf %neg3A_5, %abs3A : vector<100x2048xf32>
    %exp3A = math.exp %neg3A_6 : vector<100x2048xf32>
    %max3A = arith.constant 0.000000e+00 : f32
    %max3A_7 = vector.broadcast %max3A : f32 to vector<100x2048xf32>
    %max3A_8 = arith.maximumf %get3A_1, %max3A_7 : vector<100x2048xf32>
    %mul3A = arith.mulf %get3A_1, %get3A_4 : vector<100x2048xf32>
    %sub3A = arith.subf %max3A_8, %mul3A : vector<100x2048xf32>
    %mul3A_9 = arith.constant -0.0548628531 : f32
    %mul3A_10 = vector.broadcast %mul3A_9 : f32 to vector<100x2048xf32>
    %mul3A_11 = arith.mulf %exp3A, %mul3A_10 : vector<100x2048xf32>
    %add3A = arith.constant 0.216410443 : f32
    %add3A_12 = vector.broadcast %add3A : f32 to vector<100x2048xf32>
    %add3A_13 = arith.addf %mul3A_11, %add3A_12 : vector<100x2048xf32>
    %mul3A_14 = arith.mulf %add3A_13, %exp3A : vector<100x2048xf32>
    %add3A_15 = arith.constant -0.464072585 : f32
    %add3A_16 = vector.broadcast %add3A_15 : f32 to vector<100x2048xf32>
    %add3A_17 = arith.addf %mul3A_14, %add3A_16 : vector<100x2048xf32>
    %mul3A_18 = arith.mulf %add3A_17, %exp3A : vector<100x2048xf32>
    %add3A_19 = arith.constant 0.99542731 : f32
    %add3A_20 = vector.broadcast %add3A_19 : f32 to vector<100x2048xf32>
    %add3A_21 = arith.addf %mul3A_18, %add3A_20 : vector<100x2048xf32>
    %mul3A_22 = arith.mulf %add3A_21, %exp3A : vector<100x2048xf32>
    %add3A_23 = arith.constant 1.41512181E-4 : f32
    %add3A_24 = vector.broadcast %add3A_23 : f32 to vector<100x2048xf32>
    %add3A_25 = arith.addf %mul3A_22, %add3A_24 : vector<100x2048xf32>
    %add3A_26 = arith.addf %sub3A, %add3A_25 : vector<100x2048xf32>
    %mul3A_27 = arith.mulf %get3A_4, %add3A_26 : vector<100x2048xf32>
    %reduce_sum3A = arith.constant dense<0.000000e+00> : vector<100xf32>
    %reduce_sum3A_28 = vector.multi_reduction <add>, %get3A_4, %reduce_sum3A [1] : vector<100x2048xf32> to vector<100xf32>
    %broadcast_in_dim3A = vector.shape_cast %reduce_sum3A_28 : vector<100xf32> to vector<100x1xf32>
    %reduce_sum3A_29 = arith.constant dense<0.000000e+00> : vector<100xf32>
    %reduce_sum3A_30 = vector.multi_reduction <add>, %mul3A_27, %reduce_sum3A_29 [1] : vector<100x2048xf32> to vector<100xf32>
    %broadcast_in_dim3A_31 = vector.shape_cast %reduce_sum3A_30 : vector<100xf32> to vector<100x1xf32>
    %sub3A_32 = arith.subf %add3A_26, %mul3A_27 : vector<100x2048xf32>
    %reduce_sum3A_33 = arith.constant dense<0.000000e+00> : vector<100xf32>
    %reduce_sum3A_34 = vector.multi_reduction <add>, %sub3A_32, %reduce_sum3A_33 [1] : vector<100x2048xf32> to vector<100xf32>
    %broadcast_in_dim3A_35 = vector.shape_cast %reduce_sum3A_34 : vector<100xf32> to vector<100x1xf32>
    %eq3A = arith.constant 0 : i32
    %eq3A_36 = arith.cmpi eq, %arg0, %eq3A : i32
    %convert_element_type3A = arith.extui %eq3A_36 : i1 to i32
    %cond3A = arith.constant 0 : i32
    %cond3A_37 = arith.cmpi ne, %convert_element_type3A, %cond3A : i32
    scf.if %cond3A_37 {
      %broadcast_in_dim3A_63 = arith.constant 0.000000e+00 : f32
      %broadcast_in_dim3A_64 = vector.broadcast %broadcast_in_dim3A_63 : f32 to vector<100x8xf32>
      %swap3A_65 = arith.constant 0 : index
      %swap3A_66 = arith.constant 0 : index
      %swap3A_67 = vector.load %arg4[%swap3A_65, %swap3A_66] : memref<100x8xf32, #tpu.memory_space<vmem>>, vector<100x8xf32>
      tpu.vector_store %arg4[%swap3A_65, %swap3A_66], %broadcast_in_dim3A_64 {strides = array<i32>} : memref<100x8xf32, #tpu.memory_space<vmem>>, vector<100x8xf32>,
    } else {
    }
    %get3A_38 = arith.constant 0 : index
    %get3A_39 = arith.constant 0 : index
    %get3A_40 = vector.load %arg4[%get3A_38, %get3A_39] : memref<100x8xf32, #tpu.memory_space<vmem>>, vector<100x1xf32>
    %add3A_41 = arith.addf %get3A_40, %broadcast_in_dim3A : vector<100x1xf32>
    %swap3A = arith.constant 0 : index
    %swap3A_42 = arith.constant 0 : index
    %swap3A_43 = vector.load %arg4[%swap3A, %swap3A_42] : memref<100x8xf32, #tpu.memory_space<vmem>>, vector<100x1xf32>
    tpu.vector_store %arg4[%swap3A, %swap3A_42], %add3A_41 {strides = array<i32>} : memref<100x8xf32, #tpu.memory_space<vmem>>, vector<100x1xf32>,
    %get3A_44 = arith.constant 0 : index
    %get3A_45 = arith.constant 1 : index
    %get3A_46 = vector.load %arg4[%get3A_44, %get3A_45] : memref<100x8xf32, #tpu.memory_space<vmem>>, vector<100x1xf32>
    %add3A_47 = arith.addf %get3A_46, %broadcast_in_dim3A_31 : vector<100x1xf32>
    %swap3A_48 = arith.constant 0 : index
    %swap3A_49 = arith.constant 1 : index
    %swap3A_50 = vector.load %arg4[%swap3A_48, %swap3A_49] : memref<100x8xf32, #tpu.memory_space<vmem>>, vector<100x1xf32>
    tpu.vector_store %arg4[%swap3A_48, %swap3A_49], %add3A_47 {strides = array<i32>} : memref<100x8xf32, #tpu.memory_space<vmem>>, vector<100x1xf32>,
    %get3A_51 = arith.constant 0 : index
    %get3A_52 = arith.constant 2 : index
    %get3A_53 = vector.load %arg4[%get3A_51, %get3A_52] : memref<100x8xf32, #tpu.memory_space<vmem>>, vector<100x1xf32>
    %add3A_54 = arith.addf %get3A_53, %broadcast_in_dim3A_35 : vector<100x1xf32>
    %swap3A_55 = arith.constant 0 : index
    %swap3A_56 = arith.constant 2 : index
    %swap3A_57 = vector.load %arg4[%swap3A_55, %swap3A_56] : memref<100x8xf32, #tpu.memory_space<vmem>>, vector<100x1xf32>
    tpu.vector_store %arg4[%swap3A_55, %swap3A_56], %add3A_54 {strides = array<i32>} : memref<100x8xf32, #tpu.memory_space<vmem>>, vector<100x1xf32>,
    %eq3A_58 = arith.constant 5 : i32
    %eq3A_59 = arith.cmpi eq, %arg0, %eq3A_58 : i32
    %convert_element_type3A_60 = arith.extui %eq3A_59 : i1 to i32
    %cond3A_61 = arith.constant 0 : i32
    %cond3A_62 = arith.cmpi ne, %convert_element_type3A_60, %cond3A_61 : i32
    scf.if %cond3A_62 {
      %get3A_63 = arith.constant 0 : index
      %get3A_64 = arith.constant 0 : index
      %get3A_65 = vector.load %arg4[%get3A_63, %get3A_64] : memref<100x8xf32, #tpu.memory_space<vmem>>, vector<100x8xf32>
      %swap3A_66 = arith.constant 0 : index
      %swap3A_67 = arith.constant 0 : index
      %swap3A_68 = vector.load %arg3[%swap3A_66, %swap3A_67] : memref<100x8xf32, #tpu.memory_space<vmem>>, vector<100x8xf32>
      tpu.vector_store %arg3[%swap3A_66, %swap3A_67], %get3A_65 {strides = array<i32>} : memref<100x8xf32, #tpu.memory_space<vmem>>, vector<100x8xf32>,
    } else {
    }
    return
  }
  func.func @transform_0(%arg0: i32) -> (i32, i32) {
    %c0_i32 = arith.constant 0 : i32
    %c0_i32_0 = arith.constant 0 : i32
    return %c0_i32, %arg0 : i32, i32
  }
  func.func @transform_1(%arg0: i32) -> (i32, i32) {
    %c0_i32 = arith.constant 0 : i32
    %c0_i32_0 = arith.constant 0 : i32
    return %c0_i32, %arg0 : i32, i32
  }
  func.func @transform_2(%arg0: i32) -> (i32, i32) {
    %c0_i32 = arith.constant 0 : i32
    %c0_i32_0 = arith.constant 0 : i32
    %c0_i32_1 = arith.constant 0 : i32
    return %c0_i32, %c0_i32_0 : i32, i32
  }
}

</mosaic_0001>

<sc_bundles>
// kernel: kernel.5.cloned.1.call-start
scs
__scs_entry_jumppad:
0x0: {  	(pc) =	sbr.rel $0x88, $3  }
0x1: {  	(tag) =	ssettag $0x0;
	lr =	simm.s32 $0x1  }
0x2: {  	[smem:$0x3F9F] =	sst lr;
	_ =	strace $0xD0000000  }
0x3: {  	_ = 	snop  }
0x4: {  	_ = 	snop  }
0x5: {  	_ = 	snop  }
0x6: {  	_ = 	snop  }
0x7: {  	_ = 	snop  }
__scs_overlays_trampoline_lowered:
0x8: {  	[smem:$0x3FAE] =	sst s0  }
0x9: {  	[smem:$0x3FAF] =	sst s1  }
0xa: {  	[smem:$0x3FB0] =	sst s2  }
0xb: {  	[smem:$0x3FB1] =	sst s3  }
0xc: {  	[smem:$0x3FB2] =	sst s4  }
0xd: {  	[smem:$0x3FB3] =	sst s5  }
0xe: {  	[smem:$0x3FB4] =	sst s6  }
0xf: {  	[smem:$0x3FB5] =	sst s7  }
0x10: {  	[smem:$0x3FB6] =	sst s8  }
0x11: {  	[smem:$0x3FB7] =	sst s9;
	s0 =	simm.s32 @!p0 $0x0  }
0x12: {  	s1 =	sld [smem:$0x3F9D];
	s0 =	simm.s32 @p0 $0x1  }
0x13: {  	[smem:$0x3FB8] =	sst s0;
	s0 =	simm.s32 @!p1 $0x0  }
0x14: {  	s2 =	sld [smem:$0x3F9C];
	s0 =	simm.s32 @p1 $0x1  }
0x15: {  	[smem:$0x3FB9] =	sst s0;
	s0 =	simm.s32 @!p2 $0x0  }
0x16: {  	s3 =	sld [smem:$0x3FDB];
	s0 =	simm.s32 @p2 $0x1  }
0x17: {  	s4 =	simm.s32 $0x1BF5;
	[smem:$0x3FBB] =	sst s0  }
0x18: {  	s0 =	sld [smem:$0x3F9E];
	_ =	swait.ge [sflag:s4], $0x0  }
0x19: {  	s7 =	sld [smem:$0x3F9F]  }
0x1a: {  	s8 =	sadd.s32 $0xFFFFE003, lr  }
0x1b: {  	s9 =	sadd.s32 $0xFFFFFEF7, lr;
	s5 =	simm.s32 $0xFFFFFFFF;
	p2 =	slt.u32 s8, $0xFFFFF086  }
0x1c: {  	p1 =	slt.u32 s9, $0xF7A;
	s5 =	simm.s32 @!p2 $0x0  }
0x1d: {  	s5 =	simm.s32 @p1 $0x1;
	p0 =	seq.s32 s7, s2  }
0x1e: {  	s7 =	smul.u32 @!p0 $0xF7A, s2;
	p2 =	seq.s32 @!p0 s5, $0x0  }
0x1f: {  	s9 =	smul.u32 $0xF7A, s1;
	s8 =	simm.s32 @!p0 $0x1BF5;
	p2 =	por !p2, p0  }
0x20: {  	[sflag:s8] =	ssyncset.s32 @!p0 $0xFFFFF086;
	s6 =	sadd.s32 @!p0 s3, s7;
	s7 =	simm.s32 @!p0 $0x108  }
0x21: {  	s3 =	sadd.s32 s3, s9;
	s6 =	sadd.s32 @!p0 $0x88, s6;
	s7 =	simm.s32 @p2 $0x1082  }
0x22: {  	[simem:s7], [sflag:s8] =	dma.local @!p0 [hbm:s6], $0xF7A  }
0x23: {  	s9 =	sor.u32 $0xD0000000, s2;
	s6 =	simm.s32 $0x108;
	_ =	swait.ge @!p0 [sflag:s8], $0x0  }
0x24: {  	s3 =	sadd.s32 $0x88, s3;
	s6 =	simm.s32 @!p1 $0x1082;
	[sflag:s4] =	ssyncset.s32 $0xFFFFF086  }
0x25: {  	[simem:s6], [sflag:s4] =	dma.local [hbm:s3], $0xF7A  }
0x26: {  	[smem:$0x3F9F] =	sst s1;
	(tag) =	ssettag s2;
	_ =	strace s9  }
0x27: {  	s1 =	sld [smem:$0x3FAF]  }
0x28: {  	s2 =	sld [smem:$0x3FB0]  }
0x29: {  	s4 =	sld [smem:$0x3FB2]  }
0x2a: {  	p0 =	seq.s32 s5, $0x0;
	s5 =	sld [smem:$0x3FB3]  }
0x2b: {  	s6 =	sld [smem:$0x3FB4]  }
0x2c: {  	s7 =	sld [smem:$0x3FB5]  }
0x2d: {  	s3 =	simm.s32 $0x108;
	s8 =	sld [smem:$0x3FB6]  }
0x2e: {  	s3 =	simm.s32 @!p0 $0x1082;
	s9 =	sld [smem:$0x3FB7]  }
0x2f: {  	lr =	sadd.s32 s0, s3;
	s0 =	sld [smem:$0x3FAE]  }
0x30: {  	s3 =	sld [smem:$0x3FB1]  }
0x31: {  	[smem:$0x3FBA] =	sst s10  }
0x32: {  	s10 =	sld [smem:$0x3FB8];
	_ =	sdelay $0x3  }
0x33: {  	p0 =	seq.s32 s10, $0x1;
	s10 =	sld [smem:$0x3FBA];
	_ =	sdelay $0x3  }
0x34: {  	[smem:$0x3FBA] =	sst s10  }
0x35: {  	s10 =	sld [smem:$0x3FB9];
	_ =	sdelay $0x3  }
0x36: {  	p1 =	seq.s32 s10, $0x1;
	s10 =	sld [smem:$0x3FBA];
	_ =	sdelay $0x3  }
0x37: {  	[smem:$0x3FBA] =	sst s10  }
0x38: {  	s10 =	sld [smem:$0x3FBB]  }
0x39: {  	_ = 	snop;
	(pc) =	sbr.ind lr, $3  }
0x3a: {  	_ = 	snop  }
0x3b: {  	_ = 	snop  }
0x3c: {  	p2 =	seq.s32 s10, $0x1;
	s10 =	sld [smem:$0x3FBA]  }
0x3d: {  	_ =	shalt  }
0x3e: {  	_ =	shalt  }
0x3f: {  	_ =	shalt  }
0x40: {  	_ =	shalt  }
0x41: {  	_ =	shalt  }
0x42: {  	_ =	shalt  }
0x43: {  	_ =	shalt  }
0x44: {  	_ =	shalt  }
0x45: {  	_ =	shalt  }
0x46: {  	_ =	shalt  }
0x47: {  	_ =	shalt  }
0x48: {  	_ =	shalt  }
0x49: {  	_ =	shalt  }
0x4a: {  	_ =	shalt  }
0x4b: {  	_ =	shalt  }
0x4c: {  	_ =	shalt  }
0x4d: {  	_ =	shalt  }
0x4e: {  	_ =	shalt  }
0x4f: {  	_ =	shalt  }
0x50: {  	_ =	shalt  }
0x51: {  	_ =	shalt  }
0x52: {  	_ =	shalt  }
0x53: {  	_ =	shalt  }
0x54: {  	_ =	shalt  }
0x55: {  	_ =	shalt  }
0x56: {  	_ =	shalt  }
0x57: {  	_ =	shalt  }
0x58: {  	_ =	shalt  }
0x59: {  	_ =	shalt  }
0x5a: {  	_ =	shalt  }
0x5b: {  	_ =	shalt  }
0x5c: {  	_ =	shalt  }
0x5d: {  	_ =	shalt  }
0x5e: {  	_ =	shalt  }
0x5f: {  	_ =	shalt  }
0x60: {  	_ =	shalt  }
0x61: {  	_ =	shalt  }
0x62: {  	_ =	shalt  }
0x63: {  	_ =	shalt  }
0x64: {  	_ =	shalt  }
0x65: {  	_ =	shalt  }
0x66: {  	_ =	shalt  }
0x67: {  	_ =	shalt  }
0x68: {  	_ =	shalt  }
0x69: {  	_ =	shalt  }
0x6a: {  	_ =	shalt  }
0x6b: {  	_ =	shalt  }
0x6c: {  	_ =	shalt  }
0x6d: {  	_ =	shalt  }
0x6e: {  	_ =	shalt  }
0x6f: {  	_ =	shalt  }
0x70: {  	_ =	shalt  }
0x71: {  	_ =	shalt  }
0x72: {  	_ =	shalt  }
0x73: {  	_ =	shalt  }
0x74: {  	_ =	shalt  }
0x75: {  	_ =	shalt  }
0x76: {  	_ =	shalt  }
0x77: {  	_ =	shalt  }
0x78: {  	_ =	shalt  }
0x79: {  	_ =	shalt  }
0x7a: {  	_ =	shalt  }
0x7b: {  	_ =	shalt  }
0x7c: {  	_ =	shalt  }
0x7d: {  	_ =	shalt  }
0x7e: {  	_ =	shalt  }
0x7f: {  	_ =	shalt  }
0x80: {  	_ =	shalt  }
0x81: {  	_ =	shalt  }
0x82: {  	_ =	shalt  }
0x83: {  	_ =	shalt  }
0x84: {  	_ =	shalt  }
0x85: {  	_ =	shalt  }
0x86: {  	_ =	shalt  }
0x87: {  	_ =	shalt  }
.Lfunc_end0:
.L_simem_size_0:
called_computation_lowered:
.L_overlay_start_0:
0x88: {  	s2 =	sld [smem:$0x3FD9]  }
0x89: {  	s3 =	sld [smem:$0x3FFE];
	_ =	sdelay $0x1  }
0x8a: {  	s1 =	srdreg.scid  }
0x8b: {  	s0 =	sand.u32 $0x1, s1  }
0x8c: {  	s17 =	sshll.u32 s0, $0xA;
	s2 =	sadd.s32 s3, s2  }
0x8d: {  	s2 =	sadd.s32 s2, s17  }
0x8e: {  	[smem:$0x3FC6] =	sst s2  }
0x8f: {  	_ = 	snop  }
0x90: {  	s2 =	sld [smem:$0x3FC9]  }
0x91: {  	s18 =	sld [smem:$0x3FC8];
	(tm) =	ssettm $0x1  }
0x92: {  	s4 =	sld [smem:$0x3FFB];
	_ =	sdelay $0x3  }
0x93: {  	_ =	strace s4  }
0x94: {  	s4 =	sld [smem:$0x3FFC];
	_ =	sdelay $0x3  }
0x95: {  	_ =	strace s4  }
0x96: {  	s4 =	sld [smem:$0x3FFD];
	_ =	sdelay $0x3  }
0x97: {  	_ =	strace s4  }
0x98: {  	_ =	strace $0x8FFFFFFF  }
0x99: {  	s19 =	sld [smem:$0x3FDB];
	_ =	sdelay $0x1  }
0x9a: {  	s5 =	simm.s32 $_scs_section_size  }
0x9b: {  	s6 =	simm.s32 $_size__tile_overlayer_lowered;
	s7 =	simm.s32 $_tile_overlayer_lowered  }
0x9c: {  	s22 =	simm.s32 $0x1BFF;
	s21 =	sshll.u32 s7, $0x1;
	s4 =	sadd.s32 s5, s19  }
0x9d: {  	s8 =	simm.s32 $0x0;
	s20 =	sshll.u32 s6, $0x1;
	s6 =	sadd.s32 s21, s4  }
0x9e: {  	[timem:s8], [sflag:s22] =	dma.local [hbm:s6], s20  }
0x9f: {  	_ =	swait.ge [sflag:s22], s20  }
0xa0: {  	s5 =	ssub.s32 $0x0, s20;
	[sflag:s22] =	ssyncset.done $0x0  }
0xa1: {  	[sflag:s22] =	ssyncadd.s32 s5;
	_ =	sdelay $0x1  }
0xa2: {  	s23 =	simm.s32 $0x1B8B  }
0xa3: {  	_ =	swait.ge [sflag:s23], $0x1  }
0xa4: {  	[sflag:s23] =	ssyncset.done $0x0  }
0xa5: {  	s25 =	simm.s32 $0x1B8E;
	s24 =	sld [smem:$0x3FFE];
	[sflag:s23] =	ssyncadd.s32 $0xFFFFFFFF  }
0xa6: {  	s26 =	simm.s32 $execute0_lowered;
	[smem:$0x3FD2] =	sst s25  }
0xa7: {  	s6 =	sshll.u32 s26, $0x1;
	_ =	strace $0x80000046;
	[dreg:$0x1] =	wrdreg $0xFFFFFFFF  }
0xa8: {  	s28 =	simm.s32 $_size_execute0_lowered;
	s4 =	sadd.s32 s4, s6;
	[dreg:$0x0] =	wrdreg $0x0  }
0xa9: {  	s6 =	sshll.u32 s28, $0x1;
	[dreg:$0x2] =	wrdreg s4  }
0xaa: {  	[dreg:$0x3] =	wrdreg s6  }
0xab: {  	[dreg:$0x4] =	wrdreg $0xC0  }
0xac: {  	_ =	task [dreg:s8], $0x5FFFF  }
0xad: {  	[dreg:$0x1] =	wrdreg $0xFFFFFFFF  }
0xae: {  	[dreg:$0x0] =	wrdreg $0x60  }
0xaf: {  	[dreg:$0x2] =	wrdreg s2  }
0xb0: {  	[dreg:$0x3] =	wrdreg s18  }
0xb1: {  	[dreg:$0x4] =	wrdreg s24  }
0xb2: {  	[dreg:$0x5] =	wrdreg $0x9  }
0xb3: {  	_ =	task.clear_ibuf [dreg:s8], $0x6FFFF;
	_ =	strace $0x90000046  }
0xb4: {  	s29 =	simm.s32 $0x9;
	_ =	strace $0x80000048  }
0xb5: {  	_ =	swait.ge [sflag:s29], $0x1  }
0xb6: {  	[sflag:s29] =	ssyncadd.s32 $0xFFFFFFFF  }
0xb7: {  	_ =	strace $0x90000048  }
0xb8: {  	_ =	sfence  }
0xb9: {  	s30 =	sld [smem:$0x0];
	_ =	sdelay $0x2  }
0xba: {  	s31 =	sshll.u32 s1, $0xD;
	s1 =	sshrl.u32 s1, $0x2  }
0xbb: {  	s3 =	sand.u32 $0x4000, s31;
	s1 =	sadd.s32 s1, s30  }
0xbc: {  	s0 =	sor.u32 s3, s0;
	s1 =	sshll.u32 s1, $0x11  }
0xbd: {  	s0 =	sor.u32 s1, s0  }
0xbe: {  	s0 =	sadd.s32 $0x8F2B, s0  }
0xbf: {  	[sflag:s0] =	ssyncadd.remote.s32 $0x1  }
0xc0: {  	_ =	sfence.sel $0xFFFF  }
0xc1: {  	[dreg:$0x0] =	wrdreg $0xFFFFFFFF;
	(pc) =	sbr.abs _section_cstart, $3  }
0xc2: {  	[dreg:$0x1] =	wrdreg $0xFFFFFFFF  }
0xc3: {  	_ =	task.clear_ibuf [dreg:s8], $0x2FFFF;
	_ =	strace $0x9FFFFFFF  }
0xc4: {  	(tm) =	ssettm $0x7FFFFFFF  }
0xc5: {  	_ =	shalt  }
tec
execute0_lowered:
.L_overlay_start_1:
0x0: {  	(tag) =	ssettag $0x1  }
0x1: {  	s3 =	rddreg [dreg:$0x0]  }
0x2: {  	s4 =	rddreg [dreg:$0x1];
	s1 =	srdreg.scid  }
0x3: {  	s0 =	stileid.u32;
	s5 =	rddreg [dreg:$0x2]  }
0x4: {  	s2 =	simm.s32 $0x0;
	s10 =	simm.s32 $0x20000;
	s11 =	simm.s32 $0x3000  }
0x5: {  	s12 =	simm.s32 $0x3400;
	s13 =	simm.s32 $0x6400;
	s14 =	simm.s32 $0x1  }
0x6: {  	s15 =	simm.s32 $0x2;
	s16 =	simm.s32 $0x6800;
	s17 =	simm.s32 $0x3  }
0x7: {  	s6 =	sand.u32 $0x1, s1;
	s7 =	sshll.u32 s0, $0x1;
	s1 =	rddreg [dreg:$0x3]  }
0x8: {  	s18 =	simm.s32 $0x0;
	[smem:$0x7FF] =	sst s2;
	s7 =	sor.u32 s6, s7  }
0x9: {  	s29 =	ssub.s32 $0x2, s6;
	s8 =	smul.u32 $0x680, s7;
	s7 =	sshll.u32 s7, $0x7  }
0xa: {  	_ =	strace $0x80000047;
	s31 =	sshrl.u32 s29, $0x1;
	s30 =	sor.u32 $0x3000, s7  }
0xb: {  	s9 =	ssub.s32 s29, s31;
	s3 =	sadd.s32 s3, s30;
	s4 =	sadd.s32 s4, s30  }
0xc: {  	s8 =	sadd.s32 s8, s5;
	s5 =	sadd.s32 $0x30000, s3;
	s6 =	sadd.s32 $0x30000, s4  }
0xd: {  	s7 =	sadd.s32 $0xA00, s8;
	s8 =	smax.u32 s9, $0x1;
	s9 =	simm.s32 $0x400  }
.LBB2_1:
0xe: {  	[tilespmem:s2], [sflag:$0x1] =	stream.strided.gather [hbm4b:s3+s9], $0x3000, s10, s9, $0x38;
	[tilespmem:$0x9C00] =	vst v63  }
0xf: {  	_ = 	snop  }
0x10: {  	[tilespmem:s11], [sflag:$0x1] =	stream.linear.gather [hbm4b:s5+s2], $0x200, $0x38;
	[tilespmem:$0x9C00] =	vst v63  }
0x11: {  	_ = 	snop  }
0x12: {  	[tilespmem:s12], [sflag:$0x2] =	stream.strided.gather [hbm4b:s4+s9], $0x3000, s10, s9, $0x38;
	[tilespmem:$0x9C00] =	vst v63  }
0x13: {  	_ = 	snop  }
0x14: {  	[tilespmem:s13], [sflag:$0x2] =	stream.linear.gather [hbm4b:s6+s2], $0x200, $0x38;
	[tilespmem:$0x9C00] =	vst v63  }
0x15: {  	_ =	swait.ge [sflag:s14], $0x3200  }
0x16: {  	[sflag:s14] =	ssyncset.done $0x0  }
0x17: {  	[sflag:s14] =	ssyncadd.s32 $0xFFFFCE00  }
0x18: {  	_ =	swait.ge [sflag:s15], $0x3200  }
0x19: {  	[sflag:s15] =	ssyncset.done $0x0  }
0x1a: {  	s19 =	simm.s32 $0x3480;
	[sflag:s15] =	ssyncadd.s32 $0xFFFFCE00  }
0x1b: {  	s20 =	simm.s32 $0x80;
	v0 =	vld [tilespmem:s19+$0x70]  }
0x1c: {  	v7 =	vld [tilespmem:s20+$0x70]  }
0x1d: {  	v8 =	vld [tilespmem:s20+$0x60]  }
0x1e: {  	v10 =	vld [tilespmem:s20+$0x50]  }
0x1f: {  	v11 =	vld [tilespmem:s20+$0x40]  }
0x20: {  	v12 =	vld [tilespmem:s20+$0x30]  }
0x21: {  	v13 =	vld [tilespmem:s20+$0x20]  }
0x22: {  	v14 =	vld [tilespmem:s20+$0x0]  }
0x23: {  	v15 =	vld [tilespmem:s20+$0x10];
	_ =	sdelay $0x2  }
0x24: {  	v1 =	vand.u32 $0x7FFFFFFF, v8;
	v2 =	vand.u32 $0x7FFFFFFF, v7;
	v16 =	vmul.f32 v0, v7  }
0x25: {  	v3 =	vand.u32 $0x7FFFFFFF, v11;
	v4 =	vand.u32 $0x7FFFFFFF, v10;
	v6 =	vand.u32 $0x7FFFFFFF, v13  }
0x26: {  	v5 =	vand.u32 $0x7FFFFFFF, v12;
	v17 =	vand.u32 $0x7FFFFFFF, v14;
	v18 =	vand.u32 $0x7FFFFFFF, v15  }
0x27: {  	v22 =	vmax.f32 v11, $0.0e+00;
	v23 =	vmax.f32 v13, $0.0e+00;
	v2 =	vsub.f32 $0.0e+00, v2  }
0x28: {  	v25 =	vmax.f32 v14, $0.0e+00;
	v9 =	vsub.f32 $0.0e+00, v1;
	v4 =	vsub.f32 $0.0e+00, v4  }
0x29: {  	v26 =	vmax.f32 v15, $0.0e+00;
	v1 =	vld [tilespmem:s20+$0xFFFFFF80];
	v19 =	vsub.f32 $0.0e+00, v3;
	v2 =	vmul.f32 $1.442695020e+00, v2  }
0x2a: {  	v5 =	vsub.f32 $0.0e+00, v5;
	v9 =	vmul.f32 $1.442695020e+00, v9;
	v20 =	vmul.f32 $1.442695020e+00, v4  }
0x2b: {  	v3 =	vld [tilespmem:s19+$0x60];
	(erf) = vpow2.f32 v2;
	v2 =	vsub.f32 $0.0e+00, v17;
	v17 =	vmul.f32 $1.442695020e+00, v19  }
0x2c: {  	v18 =	vsub.f32 $0.0e+00, v18;
	v19 =	vmul.f32 $1.442695020e+00, v5;
	v5 =	vld [tilespmem:s19+$0x40];
	(erf) = vpow2.f32 v9  }
0x2d: {  	v21 =	vsub.f32 $0.0e+00, v6;
	v6 =	vld [tilespmem:s19+$0x30];
	(erf) = vpow2.f32 v20;
	v20 =	vmul.f32 $1.442695020e+00, v2  }
0x2e: {  	v4 =	vld [tilespmem:s19+$0x50];
	v9 =	vand.u32 $0x7FFFFFFF, v1;
	(erf) = vpow2.f32 v17;
	v17 =	vmul.f32 $1.442695020e+00, v18  }
0x2f: {  	v2 =	vld [tilespmem:s19+$0x20];
	v9 =	vsub.f32 $0.0e+00, v9;
	v18 =	vmul.f32 $1.442695020e+00, v21;
	(erf) = vpow2.f32 v19  }
0x30: {  	v21 =	vmul.f32 v3, v8;
	v19 =	vmax.f32 v7, $0.0e+00;
	v7 =	vld [tilespmem:s19+$0x0];
	(erf) = vpow2.f32 v20  }
0x31: {  	v9 =	vmul.f32 $1.442695020e+00, v9;
	v20 =	vmax.f32 v8, $0.0e+00;
	v8 =	vld [tilespmem:s19+$0x10];
	v11 =	vmul.f32 v5, v11  }
0x32: {  	v16 =	vsub.f32 v19, v16;
	(erf) = vpow2.f32 v17;
	v17 =	vmax.f32 v10, $0.0e+00  }
0x33: {  	v10 =	vmul.f32 v4, v10;
	(erf) = vpow2.f32 v18;
	v18 =	vmax.f32 v12, $0.0e+00  }
0x34: {  	v13 =	vmul.f32 v2, v13;
	v12 =	vmul.f32 v6, v12;
	v11 =	vsub.f32 v22, v11;
	v24 =	vpop (erf)  }
0x35: {  	v10 =	vsub.f32 v17, v10;
	v17 =	vsub.f32 v20, v21;
	v14 =	vmul.f32 v7, v14;
	v19 =	vpop (erf)  }
0x36: {  	v12 =	vsub.f32 v18, v12;
	v15 =	vmul.f32 v8, v15;
	v22 =	vmul.f32 $5.486285310e-02, v24;
	v20 =	vpop (erf)  }
0x37: {  	v13 =	vsub.f32 v23, v13;
	v21 =	vmul.f32 $5.486285310e-02, v19;
	v14 =	vsub.f32 v25, v14;
	v18 =	vpop (erf)  }
0x38: {  	v27 =	vmul.f32 $5.486285310e-02, v20;
	v15 =	vsub.f32 v26, v15;
	v22 =	vsub.f32 $2.164104430e-01, v22;
	v23 =	vpop (erf)  }
0x39: {  	v42 =	vmul.f32 $5.486285310e-02, v18;
	v21 =	vsub.f32 $2.164104430e-01, v21;
	v28 =	vpop (erf);
	v43 =	vmul.f32 $5.486285310e-02, v23  }
0x3a: {  	v27 =	vsub.f32 $2.164104430e-01, v27;
	v22 =	vmul.f32 v22, v24;
	v29 =	vmul.f32 $5.486285310e-02, v28  }
0x3b: {  	v30 =	vpop (erf);
	v25 =	vsub.f32 $2.164104430e-01, v42;
	v21 =	vmul.f32 v21, v19;
	(erf) = vpow2.f32 v9  }
0x3c: {  	v31 =	vmul.f32 $5.486285310e-02, v30;
	v32 =	vpop (erf);
	v27 =	vmul.f32 v27, v20;
	v26 =	vsub.f32 $2.164104430e-01, v43  }
0x3d: {  	v22 =	vadd.f32 $-4.640725850e-01, v22;
	v33 =	vmul.f32 $5.486285310e-02, v32;
	v29 =	vsub.f32 $2.164104430e-01, v29  }
0x3e: {  	v21 =	vadd.f32 $-4.640725850e-01, v21;
	v25 =	vmul.f32 v25, v18;
	v31 =	vsub.f32 $2.164104430e-01, v31  }
0x3f: {  	v26 =	vmul.f32 v26, v23;
	v27 =	vadd.f32 $-4.640725850e-01, v27;
	v22 =	vmul.f32 v22, v24  }
0x40: {  	v33 =	vsub.f32 $2.164104430e-01, v33;
	v29 =	vmul.f32 v29, v28;
	v25 =	vadd.f32 $-4.640725850e-01, v25  }
0x41: {  	v21 =	vmul.f32 v21, v19;
	v31 =	vmul.f32 v31, v30;
	v26 =	vadd.f32 $-4.640725850e-01, v26  }
0x42: {  	v22 =	vadd.f32 $9.954273100e-01, v22;
	v27 =	vmul.f32 v27, v20;
	v33 =	vmul.f32 v33, v32  }
0x43: {  	v29 =	vadd.f32 $-4.640725850e-01, v29;
	v25 =	vmul.f32 v25, v18;
	v21 =	vadd.f32 $9.954273100e-01, v21  }
0x44: {  	v31 =	vadd.f32 $-4.640725850e-01, v31;
	v26 =	vmul.f32 v26, v23;
	v47 =	vadd.f32 $9.954273100e-01, v27  }
0x45: {  	v33 =	vadd.f32 $-4.640725850e-01, v33;
	v29 =	vmul.f32 v29, v28;
	v25 =	vadd.f32 $9.954273100e-01, v25  }
0x46: {  	v31 =	vmul.f32 v31, v30;
	v26 =	vadd.f32 $9.954273100e-01, v26;
	v20 =	vmul.f32 v47, v20  }
0x47: {  	v56 =	vpop (erf);
	v33 =	vmul.f32 v33, v32;
	v29 =	vadd.f32 $9.954273100e-01, v29;
	v18 =	vmul.f32 v25, v18  }
0x48: {  	v57 =	vmul.f32 $5.486285310e-02, v56;
	v31 =	vadd.f32 $9.954273100e-01, v31;
	v23 =	vmul.f32 v26, v23  }
0x49: {  	v34 =	vld [tilespmem:s20+$0xFFFFFF90];
	v33 =	vadd.f32 $9.954273100e-01, v33;
	v28 =	vmul.f32 v29, v28;
	v18 =	vadd.f32 $1.415121810e-04, v18  }
0x4a: {  	v59 =	vsub.f32 $2.164104430e-01, v57;
	v44 =	vmul.f32 v31, v30;
	v23 =	vadd.f32 $1.415121810e-04, v23  }
0x4b: {  	v45 =	vmul.f32 v33, v32;
	v28 =	vadd.f32 $1.415121810e-04, v28;
	v11 =	vadd.f32 v18, v11  }
0x4c: {  	v18 =	vadd.f32 $1.415121810e-04, v20;
	v29 =	vadd.f32 $1.415121810e-04, v44  }
0x4d: {  	v19 =	vmul.f32 v21, v19;
	v12 =	vadd.f32 v23, v12;
	v30 =	vadd.f32 $1.415121810e-04, v45  }
0x4e: {  	v46 =	vand.u32 $0x7FFFFFFF, v34;
	v14 =	vadd.f32 v28, v14;
	v10 =	vadd.f32 v18, v10  }
0x4f: {  	v18 =	vadd.f32 $1.415121810e-04, v19;
	v19 =	vmul.f32 v22, v24;
	v22 =	vsub.f32 $0.0e+00, v46  }
0x50: {  	v20 =	vld [tilespmem:s20+$0xFFFFFFB0];
	v24 =	vmul.f32 v59, v56;
	v15 =	vadd.f32 v29, v15;
	v13 =	vadd.f32 v30, v13  }
0x51: {  	v48 =	vmul.f32 v14, v7;
	v17 =	vadd.f32 v18, v17;
	v18 =	vadd.f32 $1.415121810e-04, v19  }
0x52: {  	v22 =	vmul.f32 $1.442695020e+00, v22;
	v24 =	vadd.f32 $-4.640725850e-01, v24;
	v49 =	vmul.f32 v15, v8  }
0x53: {  	v7 =	vadd.f32 v8, v7;
	v14 =	vadd.f32 v15, v14;
	v50 =	vmul.f32 v13, v2  }
0x54: {  	v23 =	vld [tilespmem:s20+$0xFFFFFFA0];
	v18 =	vadd.f32 v18, v16;
	(erf) = vpow2.f32 v22;
	v15 =	vadd.f32 v49, v48  }
0x55: {  	v21 =	vand.u32 $0x7FFFFFFF, v20;
	v7 =	vadd.f32 v2, v7;
	v13 =	vadd.f32 v13, v14  }
0x56: {  	v24 =	vmul.f32 v24, v56;
	v14 =	vadd.f32 v50, v15;
	v15 =	vmul.f32 v12, v6  }
0x57: {  	v16 =	vmul.f32 v17, v3;
	v12 =	vadd.f32 v12, v13;
	v6 =	vadd.f32 v6, v7  }
0x58: {  	v24 =	vadd.f32 $9.954273100e-01, v24;
	v13 =	vadd.f32 v15, v14;
	v14 =	vmul.f32 v11, v5  }
0x59: {  	v19 =	vld [tilespmem:s20+$0xFFFFFFC0];
	v15 =	vand.u32 $0x7FFFFFFF, v23;
	v11 =	vadd.f32 v11, v12;
	v5 =	vadd.f32 v5, v6  }
0x5a: {  	v24 =	vmul.f32 v24, v56;
	v15 =	vsub.f32 $0.0e+00, v15;
	v12 =	vadd.f32 v14, v13;
	v13 =	vld [tilespmem:s20+$0xFFFFFFD0]  }
0x5b: {  	v21 =	vsub.f32 $0.0e+00, v21;
	v14 =	vmul.f32 v10, v4;
	v10 =	vadd.f32 v10, v11;
	v11 =	vld [tilespmem:s20+$0xFFFFFFF0]  }
0x5c: {  	v24 =	vadd.f32 $1.415121810e-04, v24;
	v5 =	vadd.f32 v4, v5;
	v15 =	vmul.f32 $1.442695020e+00, v15  }
0x5d: {  	v51 =	vmul.f32 v18, v0;
	v14 =	vadd.f32 v14, v12;
	v10 =	vadd.f32 v17, v10;
	v58 =	vpop (erf)  }
0x5e: {  	v12 =	vld [tilespmem:s20+$0xFFFFFFE0];
	v3 =	vadd.f32 v3, v5;
	(erf) = vpow2.f32 v15;
	v60 =	vmul.f32 $5.486285310e-02, v58  }
0x5f: {  	v17 =	vadd.f32 v16, v14;
	v14 =	vld [tilespmem:s19+$0xFFFFFF80];
	v10 =	vadd.f32 v18, v10;
	v18 =	vand.u32 $0x7FFFFFFF, v19  }
0x60: {  	v16 =	vld [tilespmem:s19+$0xFFFFFF90];
	v18 =	vsub.f32 $0.0e+00, v18;
	v15 =	vand.u32 $0x7FFFFFFF, v13;
	v54 =	vand.u32 $0x7FFFFFFF, v11  }
0x61: {  	v27 =	vsub.f32 $2.164104430e-01, v60;
	v9 =	vadd.f32 v51, v17;
	v17 =	vmul.f32 $1.442695020e+00, v21  }
0x62: {  	v15 =	vsub.f32 $0.0e+00, v15;
	v26 =	vsub.f32 $0.0e+00, v54;
	v18 =	vmul.f32 $1.442695020e+00, v18  }
0x63: {  	v21 =	vand.u32 $0x7FFFFFFF, v12;
	v27 =	vmul.f32 v27, v58;
	(erf) = vpow2.f32 v17  }
0x64: {  	v22 =	vld [tilespmem:s19+$0xFFFFFFA0];
	v10 =	vsub.f32 v10, v9;
	v15 =	vmul.f32 $1.442695020e+00, v15;
	v55 =	vmul.f32 $1.442695020e+00, v26  }
0x65: {  	v21 =	vsub.f32 $0.0e+00, v21;
	v17 =	vld [tilespmem:s19+$0xFFFFFFB0];
	v52 =	vmul.f32 v14, v1;
	v53 =	vmul.f32 v16, v34  }
0x66: {  	(erf) = vpow2.f32 v18;
	v1 =	vmax.f32 v1, $0.0e+00;
	v27 =	vadd.f32 $-4.640725850e-01, v27  }
0x67: {  	v18 =	vmax.f32 v34, $0.0e+00;
	v21 =	vmul.f32 $1.442695020e+00, v21;
	(erf) = vpow2.f32 v15  }
0x68: {  	v15 =	vld [tilespmem:s19+$0xFFFFFFC0];
	v1 =	vsub.f32 v1, v52;
	v18 =	vsub.f32 v18, v53;
	v27 =	vmul.f32 v27, v58  }
0x69: {  	(erf) = vpow2.f32 v21;
	v21 =	vmax.f32 v23, $0.0e+00;
	v23 =	vmul.f32 v22, v23  }
0x6a: {  	v62 =	vpop (erf);
	(erf) = vpow2.f32 v55;
	v61 =	vmul.f32 v17, v20;
	v45 =	vadd.f32 $9.954273100e-01, v27  }
0x6b: {  	v20 =	vmax.f32 v20, $0.0e+00;
	v21 =	vsub.f32 v21, v23;
	v23 =	vmul.f32 $5.486285310e-02, v62  }
0x6c: {  	v1 =	vadd.f32 v24, v1;
	v20 =	vsub.f32 v20, v61;
	v25 =	vmul.f32 v45, v58  }
0x6d: {  	v41 =	vmul.f32 v15, v19;
	v19 =	vmax.f32 v19, $0.0e+00;
	v23 =	vsub.f32 $2.164104430e-01, v23  }
0x6e: {  	v57 =	vld [tilespmem:s19+$0xFFFFFFE0];
	v51 =	vmul.f32 v1, v14;
	v14 =	vadd.f32 v16, v14;
	v63 =	vpop (erf);
	v25 =	vadd.f32 $1.415121810e-04, v25  }
0x6f: {  	v19 =	vsub.f32 v19, v41;
	v40 =	vmul.f32 $5.486285310e-02, v63;
	v42 =	vpop (erf);
	v23 =	vmul.f32 v23, v62  }
0x70: {  	v14 =	vadd.f32 v22, v14;
	v43 =	vmul.f32 $5.486285310e-02, v42;
	v18 =	vadd.f32 v25, v18  }
0x71: {  	v44 =	vpop (erf);
	v31 =	vsub.f32 $2.164104430e-01, v40;
	v23 =	vadd.f32 $-4.640725850e-01, v23  }
0x72: {  	v35 =	vmul.f32 $5.486285310e-02, v44;
	v33 =	vsub.f32 $2.164104430e-01, v43;
	v52 =	vmul.f32 v18, v16  }
0x73: {  	v1 =	vadd.f32 v18, v1;
	v16 =	vmul.f32 v57, v12;
	v12 =	vmax.f32 v12, $0.0e+00  }
0x74: {  	v36 =	vpop (erf);
	v31 =	vmul.f32 v31, v63;
	v23 =	vmul.f32 v23, v62;
	v35 =	vsub.f32 $2.164104430e-01, v35  }
0x75: {  	v46 =	vmul.f32 $5.486285310e-02, v36;
	v37 =	vpop (erf);
	v33 =	vmul.f32 v33, v42;
	v56 =	vadd.f32 v52, v51  }
0x76: {  	v48 =	vmul.f32 $5.486285310e-02, v37;
	v12 =	vsub.f32 v12, v16;
	v31 =	vadd.f32 $-4.640725850e-01, v31  }
0x77: {  	v23 =	vadd.f32 $9.954273100e-01, v23;
	v47 =	vmul.f32 v35, v44;
	v27 =	vsub.f32 $2.164104430e-01, v46  }
0x78: {  	v53 =	vld [tilespmem:s19+$0xFFFFFFD0];
	v33 =	vadd.f32 $-4.640725850e-01, v33;
	v29 =	vsub.f32 $2.164104430e-01, v48;
	v31 =	vmul.f32 v31, v63  }
0x79: {  	v23 =	vmul.f32 v23, v62;
	v26 =	vadd.f32 $-4.640725850e-01, v47;
	v27 =	vmul.f32 v27, v36  }
0x7a: {  	v33 =	vmul.f32 v33, v42;
	v29 =	vmul.f32 v29, v37;
	v31 =	vadd.f32 $9.954273100e-01, v31  }
0x7b: {  	v23 =	vadd.f32 $1.415121810e-04, v23;
	v26 =	vmul.f32 v26, v44;
	v27 =	vadd.f32 $-4.640725850e-01, v27  }
0x7c: {  	v50 =	vadd.f32 $9.954273100e-01, v33;
	v29 =	vadd.f32 $-4.640725850e-01, v29;
	v49 =	vmul.f32 v31, v63  }
0x7d: {  	v59 =	vmul.f32 v53, v13;
	v21 =	vadd.f32 v23, v21;
	v55 =	vadd.f32 $9.954273100e-01, v26  }
0x7e: {  	v27 =	vmul.f32 v27, v36;
	v54 =	vmul.f32 v50, v42;
	v23 =	vadd.f32 $1.415121810e-04, v49  }
0x7f: {  	v18 =	vmul.f32 v21, v22;
	v21 =	vadd.f32 v21, v1;
	v1 =	vmax.f32 v13, $0.0e+00  }
0x80: {  	v58 =	vmul.f32 v29, v37;
	v27 =	vadd.f32 $9.954273100e-01, v27;
	v60 =	vsub.f32 v1, v59  }
0x81: {  	v25 =	vmul.f32 v55, v44;
	v20 =	vadd.f32 v23, v20;
	v23 =	vadd.f32 $1.415121810e-04, v54  }
0x82: {  	v1 =	vld [tilespmem:s19+$0xFFFFFFF0];
	v62 =	vadd.f32 $9.954273100e-01, v58;
	v13 =	vadd.f32 v18, v56;
	v61 =	vmul.f32 v27, v36  }
0x83: {  	v18 =	vadd.f32 v23, v19;
	v19 =	vmul.f32 v20, v17;
	v23 =	vadd.f32 $1.415121810e-04, v25  }
0x84: {  	v22 =	vmul.f32 v62, v37;
	v8 =	vadd.f32 v20, v21;
	v21 =	vadd.f32 $1.415121810e-04, v61  }
0x85: {  	s19 =	simm.s32 $0x180;
	v13 =	vadd.f32 v19, v13;
	v20 =	vadd.f32 v23, v60  }
0x86: {  	v19 =	vmul.f32 v18, v15;
	v8 =	vadd.f32 v18, v8;
	v18 =	vadd.f32 $1.415121810e-04, v22;
	v22 =	vld [tilespmem:s19+$0x40]  }
0x87: {  	s31 =	simm.s32 $0x3580;
	v14 =	vadd.f32 v17, v14;
	v16 =	vmul.f32 v1, v11;
	v11 =	vmax.f32 v11, $0.0e+00;
	v23 =	vld [tilespmem:s19+$0x0]  }
0x88: {  	v2 =	vld [tilespmem:s31+$0x70];
	v12 =	vadd.f32 v21, v12;
	v13 =	vadd.f32 v19, v13;
	v17 =	vmul.f32 v20, v53  }
0x89: {  	v11 =	vsub.f32 v11, v16;
	v19 =	vld [tilespmem:s19+$0x70];
	v7 =	vadd.f32 v20, v8  }
0x8a: {  	v14 =	vadd.f32 v15, v14;
	v20 =	vld [tilespmem:s19+$0x60];
	v13 =	vadd.f32 v17, v13  }
0x8b: {  	v8 =	vmul.f32 v12, v57;
	v11 =	vadd.f32 v18, v11;
	v7 =	vadd.f32 v12, v7  }
0x8c: {  	v18 =	vand.u32 $0x7FFFFFFF, v23;
	v42 =	vmax.f32 v22, $0.0e+00;
	v45 =	vmax.f32 v23, $0.0e+00  }
0x8d: {  	v21 =	vld [tilespmem:s19+$0x50];
	v6 =	vadd.f32 v8, v13;
	v8 =	vmul.f32 v11, v1;
	v13 =	vadd.f32 v53, v14  }
0x8e: {  	v12 =	vld [tilespmem:s19+$0x30];
	v11 =	vadd.f32 v11, v7;
	v7 =	vand.u32 $0x7FFFFFFF, v22;
	v18 =	vsub.f32 $0.0e+00, v18  }
0x8f: {  	v5 =	vand.u32 $0x7FFFFFFF, v20;
	v63 =	vmul.f32 v2, v19;
	v7 =	vsub.f32 $0.0e+00, v7  }
0x90: {  	v14 =	vld [tilespmem:s19+$0x20];
	v39 =	vmax.f32 v19, $0.0e+00;
	v15 =	vadd.f32 v8, v6;
	v6 =	vand.u32 $0x7FFFFFFF, v19  }
0x91: {  	v40 =	vmax.f32 v20, $0.0e+00;
	v4 =	vadd.f32 v57, v13;
	v13 =	vld [tilespmem:s19+$0x10];
	v6 =	vsub.f32 $0.0e+00, v6  }
0x92: {  	v8 =	vand.u32 $0x7FFFFFFF, v21;
	v5 =	vsub.f32 $0.0e+00, v5;
	v18 =	vmul.f32 $1.442695020e+00, v18  }
0x93: {  	v19 =	vld [tilespmem:s31+$0x10];
	v17 =	vand.u32 $0x7FFFFFFF, v12;
	v8 =	vsub.f32 $0.0e+00, v8;
	v6 =	vmul.f32 $1.442695020e+00, v6  }
0x94: {  	v35 =	vmul.f32 $1.442695020e+00, v7;
	v34 =	vmul.f32 $1.442695020e+00, v5;
	v17 =	vsub.f32 $0.0e+00, v17  }
0x95: {  	v7 =	vld [tilespmem:s31+$0x40];
	v16 =	vand.u32 $0x7FFFFFFF, v14;
	v8 =	vmul.f32 $1.442695020e+00, v8;
	(erf) = vpow2.f32 v6  }
0x96: {  	v5 =	vld [tilespmem:s31+$0x60];
	v36 =	vmul.f32 $1.442695020e+00, v17;
	v33 =	vand.u32 $0x7FFFFFFF, v13;
	(erf) = vpow2.f32 v34  }
0x97: {  	v37 =	vsub.f32 $0.0e+00, v16;
	v6 =	vld [tilespmem:s31+$0x50];
	v25 =	vsub.f32 $0.0e+00, v33;
	(erf) = vpow2.f32 v8  }
0x98: {  	v16 =	vld [tilespmem:s31+$0x20];
	v46 =	vmax.f32 v13, $0.0e+00;
	v13 =	vmul.f32 v19, v13;
	(erf) = vpow2.f32 v35  }
0x99: {  	v17 =	vsub.f32 v11, v15;
	v8 =	vld [tilespmem:s31+$0x30];
	v11 =	vmul.f32 $1.442695020e+00, v25;
	(erf) = vpow2.f32 v36  }
0x9a: {  	v41 =	vmax.f32 v12, $0.0e+00;
	v38 =	vmul.f32 $1.442695020e+00, v37;
	(erf) = vpow2.f32 v18;
	v18 =	vld [tilespmem:s31+$0x0]  }
0x9b: {  	v43 =	vmax.f32 v14, $0.0e+00;
	v22 =	vmul.f32 v7, v22;
	(erf) = vpow2.f32 v11  }
0x9c: {  	v11 =	vmax.f32 v21, $0.0e+00;
	v21 =	vmul.f32 v6, v21;
	(erf) = vpow2.f32 v38  }
0x9d: {  	v20 =	vmul.f32 v5, v20;
	v22 =	vsub.f32 v42, v22;
	v42 =	vld [tilespmem:s19+$0xFFFFFFA0];
	v14 =	vmul.f32 v16, v14  }
0x9e: {  	v24 =	vsub.f32 v39, v63;
	v13 =	vsub.f32 v46, v13;
	v12 =	vmul.f32 v8, v12;
	v44 =	vpop (erf)  }
0x9f: {  	v20 =	vsub.f32 v40, v20;
	v14 =	vsub.f32 v43, v14;
	v47 =	vpop (erf);
	v23 =	vmul.f32 v18, v23  }
0xa0: {  	v11 =	vsub.f32 v11, v21;
	v12 =	vsub.f32 v41, v12;
	v50 =	vmul.f32 $5.486285310e-02, v44;
	v21 =	vpop (erf)  }
0xa1: {  	v49 =	vmul.f32 $5.486285310e-02, v47;
	v48 =	vpop (erf);
	v23 =	vsub.f32 v45, v23;
	v53 =	vmul.f32 $5.486285310e-02, v21  }
0xa2: {  	v28 =	vsub.f32 $2.164104430e-01, v50;
	v45 =	vand.u32 $0x7FFFFFFF, v42;
	v51 =	vpop (erf);
	v52 =	vmul.f32 $5.486285310e-02, v48  }
0xa3: {  	v27 =	vsub.f32 $2.164104430e-01, v49;
	v54 =	vpop (erf);
	v56 =	vmul.f32 $5.486285310e-02, v51;
	v33 =	vsub.f32 $2.164104430e-01, v53  }
0xa4: {  	v28 =	vmul.f32 v28, v44;
	v55 =	vmul.f32 $5.486285310e-02, v54;
	v57 =	vpop (erf);
	v31 =	vsub.f32 $2.164104430e-01, v52  }
0xa5: {  	v27 =	vmul.f32 v27, v47;
	v58 =	vmul.f32 $5.486285310e-02, v57;
	v38 =	vpop (erf);
	v32 =	vsub.f32 $2.164104430e-01, v56  }
0xa6: {  	v28 =	vadd.f32 $-4.640725850e-01, v28;
	v39 =	vmul.f32 $5.486285310e-02, v38;
	v35 =	vsub.f32 $2.164104430e-01, v55  }
0xa7: {  	v33 =	vmul.f32 v33, v21;
	v27 =	vadd.f32 $-4.640725850e-01, v27;
	v37 =	vsub.f32 $2.164104430e-01, v58  }
0xa8: {  	v31 =	vmul.f32 v31, v48;
	v32 =	vmul.f32 v32, v51;
	v39 =	vsub.f32 $2.164104430e-01, v39  }
0xa9: {  	v33 =	vadd.f32 $-4.640725850e-01, v33;
	v35 =	vmul.f32 v35, v54;
	v37 =	vmul.f32 v37, v57  }
0xaa: {  	v28 =	vmul.f32 v28, v44;
	v31 =	vadd.f32 $-4.640725850e-01, v31;
	v39 =	vmul.f32 v39, v38  }
0xab: {  	v27 =	vmul.f32 v27, v47;
	v35 =	vadd.f32 $-4.640725850e-01, v35;
	v37 =	vadd.f32 $-4.640725850e-01, v37  }
0xac: {  	v32 =	vadd.f32 $-4.640725850e-01, v32;
	v33 =	vmul.f32 v33, v21;
	v39 =	vadd.f32 $-4.640725850e-01, v39  }
0xad: {  	v28 =	vadd.f32 $9.954273100e-01, v28;
	v35 =	vmul.f32 v35, v54;
	v37 =	vmul.f32 v37, v57  }
0xae: {  	v27 =	vadd.f32 $9.954273100e-01, v27;
	v62 =	vadd.f32 $9.954273100e-01, v33;
	v39 =	vmul.f32 v39, v38  }
0xaf: {  	v31 =	vmul.f32 v31, v48;
	v35 =	vadd.f32 $9.954273100e-01, v35;
	v37 =	vadd.f32 $9.954273100e-01, v37  }
0xb0: {  	v40 =	vld [tilespmem:s19+$0xFFFFFF80];
	v32 =	vmul.f32 v32, v51;
	v21 =	vmul.f32 v62, v21;
	v39 =	vadd.f32 $9.954273100e-01, v39  }
0xb1: {  	v43 =	vld [tilespmem:s19+$0xFFFFFFB0];
	v31 =	vadd.f32 $9.954273100e-01, v31;
	v34 =	vmul.f32 v35, v54;
	v59 =	vmul.f32 v37, v57  }
0xb2: {  	v32 =	vadd.f32 $9.954273100e-01, v32;
	v21 =	vadd.f32 $1.415121810e-04, v21;
	v60 =	vmul.f32 v39, v38  }
0xb3: {  	v25 =	vmul.f32 v31, v48;
	v34 =	vadd.f32 $1.415121810e-04, v34;
	v35 =	vadd.f32 $1.415121810e-04, v59  }
0xb4: {  	v29 =	vmul.f32 v32, v51;
	v51 =	vsub.f32 $0.0e+00, v45;
	v36 =	vadd.f32 $1.415121810e-04, v60  }
0xb5: {  	v61 =	vand.u32 $0x7FFFFFFF, v40;
	v23 =	vadd.f32 v34, v23;
	v13 =	vadd.f32 v35, v13  }
0xb6: {  	v49 =	vand.u32 $0x7FFFFFFF, v43;
	v25 =	vadd.f32 $1.415121810e-04, v25;
	v29 =	vadd.f32 $1.415121810e-04, v29  }
0xb7: {  	v46 =	vld [tilespmem:s19+$0xFFFFFFC0];
	v63 =	vmul.f32 v23, v18;
	v14 =	vadd.f32 v36, v14;
	v37 =	vmul.f32 v13, v19  }
0xb8: {  	v41 =	vmul.f32 v27, v47;
	v11 =	vadd.f32 v21, v11;
	v13 =	vadd.f32 v13, v23  }
0xb9: {  	v12 =	vadd.f32 v29, v12;
	v39 =	vmul.f32 v14, v16;
	v23 =	vadd.f32 v37, v63  }
0xba: {  	v44 =	vmul.f32 v28, v44;
	v21 =	vadd.f32 $1.415121810e-04, v41;
	v38 =	vld [tilespmem:s19+$0xFFFFFF90];
	v13 =	vadd.f32 v14, v13  }
0xbb: {  	v22 =	vadd.f32 v25, v22;
	v14 =	vadd.f32 v39, v23;
	v23 =	vmul.f32 v12, v8  }
0xbc: {  	v28 =	vmax.f32 v46, $0.0e+00;
	v20 =	vadd.f32 v21, v20;
	v12 =	vadd.f32 v12, v13  }
0xbd: {  	v21 =	vadd.f32 $1.415121810e-04, v44;
	v13 =	vadd.f32 v23, v14;
	v14 =	vmul.f32 v22, v7  }
0xbe: {  	v27 =	vld [tilespmem:s31+$0xFFFFFFA0];
	v53 =	vmul.f32 $1.442695020e+00, v51;
	v12 =	vadd.f32 v22, v12;
	v22 =	vsub.f32 $0.0e+00, v61  }
0xbf: {  	v25 =	vld [tilespmem:s31+$0xFFFFFF80];
	v23 =	vand.u32 $0x7FFFFFFF, v38;
	v13 =	vadd.f32 v14, v13;
	v14 =	vmul.f32 v11, v6  }
0xc0: {  	v21 =	vadd.f32 v21, v24;
	v23 =	vsub.f32 $0.0e+00, v23;
	v50 =	vmul.f32 $1.442695020e+00, v22  }
0xc1: {  	v26 =	vld [tilespmem:s31+$0xFFFFFF90];
	v11 =	vadd.f32 v11, v12;
	v12 =	vadd.f32 v14, v13;
	v13 =	vmul.f32 v20, v5  }
0xc2: {  	v31 =	vmax.f32 v43, $0.0e+00;
	v24 =	vld [tilespmem:s31+$0xFFFFFFB0];
	v52 =	vmul.f32 v21, v2;
	(erf) = vpow2.f32 v50  }
0xc3: {  	v14 =	vld [tilespmem:s19+$0xFFFFFFD0];
	v11 =	vadd.f32 v20, v11;
	v12 =	vadd.f32 v13, v12;
	v13 =	vmul.f32 $1.442695020e+00, v23  }
0xc4: {  	v62 =	vmul.f32 v27, v42;
	v55 =	vmul.f32 v25, v40;
	v22 =	vld [tilespmem:s19+$0xFFFFFFE0];
	v23 =	vsub.f32 $0.0e+00, v49  }
0xc5: {  	v20 =	vld [tilespmem:s19+$0xFFFFFFF0];
	v11 =	vadd.f32 v21, v11;
	v21 =	vadd.f32 v52, v12;
	(erf) = vpow2.f32 v13  }
0xc6: {  	v12 =	vand.u32 $0x7FFFFFFF, v46;
	v13 =	vmul.f32 $1.442695020e+00, v23;
	(erf) = vpow2.f32 v53  }
0xc7: {  	v57 =	vmul.f32 v26, v38;
	v29 =	vmax.f32 v38, $0.0e+00;
	v12 =	vsub.f32 $0.0e+00, v12  }
0xc8: {  	v23 =	vsub.f32 v11, v21;
	v11 =	vand.u32 $0x7FFFFFFF, v14;
	(erf) = vpow2.f32 v13  }
0xc9: {  	v54 =	vand.u32 $0x7FFFFFFF, v22;
	v12 =	vmul.f32 $1.442695020e+00, v12;
	v11 =	vsub.f32 $0.0e+00, v11  }
0xca: {  	v50 =	vmul.f32 v24, v43;
	v56 =	vand.u32 $0x7FFFFFFF, v20;
	v13 =	vsub.f32 $0.0e+00, v54  }
0xcb: {  	v58 =	vsub.f32 $0.0e+00, v56;
	(erf) = vpow2.f32 v12;
	v11 =	vmul.f32 $1.442695020e+00, v11;
	v60 =	vpop (erf)  }
0xcc: {  	v19 =	vadd.f32 v19, v18;
	v13 =	vmul.f32 $1.442695020e+00, v13;
	v61 =	vmul.f32 $5.486285310e-02, v60  }
0xcd: {  	v29 =	vsub.f32 v29, v57;
	v59 =	vmul.f32 $1.442695020e+00, v58;
	(erf) = vpow2.f32 v11  }
0xce: {  	v16 =	vadd.f32 v16, v19;
	v11 =	vld [tilespmem:s31+$0xFFFFFFC0];
	(erf) = vpow2.f32 v13;
	v47 =	vsub.f32 $2.164104430e-01, v61;
	v63 =	vpop (erf)  }
0xcf: {  	v31 =	vsub.f32 v31, v50;
	(erf) = vpow2.f32 v59;
	v48 =	vmul.f32 $5.486285310e-02, v63;
	v49 =	vpop (erf)  }
0xd0: {  	v12 =	vmax.f32 v40, $0.0e+00;
	v30 =	vmul.f32 v47, v60;
	v51 =	vmul.f32 $5.486285310e-02, v49  }
0xd1: {  	v12 =	vsub.f32 v12, v55;
	v13 =	vmax.f32 v42, $0.0e+00;
	v52 =	vpop (erf);
	v35 =	vsub.f32 $2.164104430e-01, v48  }
0xd2: {  	v53 =	vmul.f32 $5.486285310e-02, v52;
	v30 =	vadd.f32 $-4.640725850e-01, v30;
	v32 =	vsub.f32 $2.164104430e-01, v51  }
0xd3: {  	v13 =	vsub.f32 v13, v62;
	v54 =	vmul.f32 v11, v46;
	v35 =	vmul.f32 v35, v63  }
0xd4: {  	v55 =	vpop (erf);
	v39 =	vsub.f32 $2.164104430e-01, v53;
	v30 =	vmul.f32 v30, v60;
	v32 =	vmul.f32 v32, v49  }
0xd5: {  	v28 =	vsub.f32 v28, v54;
	v41 =	vmul.f32 $5.486285310e-02, v55;
	v35 =	vadd.f32 $-4.640725850e-01, v35  }
0xd6: {  	v39 =	vmul.f32 v39, v52;
	v42 =	vpop (erf);
	v30 =	vadd.f32 $9.954273100e-01, v30;
	v32 =	vadd.f32 $-4.640725850e-01, v32  }
0xd7: {  	v41 =	vsub.f32 $2.164104430e-01, v41;
	v43 =	vmul.f32 $5.486285310e-02, v42;
	v44 =	vpop (erf);
	v35 =	vmul.f32 v35, v63  }
0xd8: {  	v53 =	vmax.f32 v14, $0.0e+00;
	v30 =	vmul.f32 v30, v60;
	v57 =	vmul.f32 $5.486285310e-02, v44  }
0xd9: {  	v39 =	vadd.f32 $-4.640725850e-01, v39;
	v45 =	vpop (erf);
	v32 =	vmul.f32 v32, v49;
	v41 =	vmul.f32 v41, v55  }
0xda: {  	v43 =	vsub.f32 $2.164104430e-01, v43;
	v59 =	vmul.f32 $5.486285310e-02, v45;
	v56 =	vadd.f32 $9.954273100e-01, v35  }
0xdb: {  	v39 =	vmul.f32 v39, v52;
	v35 =	vsub.f32 $2.164104430e-01, v57;
	v30 =	vadd.f32 $1.415121810e-04, v30  }
0xdc: {  	v32 =	vadd.f32 $9.954273100e-01, v32;
	v41 =	vadd.f32 $-4.640725850e-01, v41;
	v58 =	vmul.f32 v43, v42  }
0xdd: {  	v62 =	vsub.f32 $2.164104430e-01, v59;
	v33 =	vmul.f32 v56, v63;
	v60 =	vadd.f32 $9.954273100e-01, v39  }
0xde: {  	v35 =	vmul.f32 v35, v44;
	v12 =	vadd.f32 v30, v12;
	v32 =	vmul.f32 v32, v49  }
0xdf: {  	v61 =	vmul.f32 v41, v55;
	v34 =	vadd.f32 $-4.640725850e-01, v58;
	v47 =	vmul.f32 v62, v45  }
0xe0: {  	v33 =	vadd.f32 $1.415121810e-04, v33;
	v63 =	vmul.f32 v60, v52;
	v35 =	vadd.f32 $-4.640725850e-01, v35  }
0xe1: {  	v46 =	vmul.f32 v12, v25;
	v25 =	vadd.f32 v26, v25;
	v32 =	vadd.f32 $1.415121810e-04, v32  }
0xe2: {  	v43 =	vadd.f32 $9.954273100e-01, v61;
	v34 =	vmul.f32 v34, v42;
	v38 =	vadd.f32 $-4.640725850e-01, v47  }
0xe3: {  	v29 =	vadd.f32 v33, v29;
	v30 =	vadd.f32 $1.415121810e-04, v63;
	v35 =	vmul.f32 v35, v44  }
0xe4: {  	v25 =	vadd.f32 v27, v25;
	v32 =	vadd.f32 v32, v13;
	v33 =	vmul.f32 v43, v55  }
0xe5: {  	v13 =	vld [tilespmem:s31+$0xFFFFFFD0];
	v34 =	vadd.f32 $9.954273100e-01, v34;
	v48 =	vmul.f32 v29, v26;
	v29 =	vadd.f32 v29, v12  }
0xe6: {  	v52 =	vmul.f32 v38, v45;
	v30 =	vadd.f32 v30, v31;
	v12 =	vld [tilespmem:s31+$0xFFFFFFE0];
	v51 =	vadd.f32 $9.954273100e-01, v35  }
0xe7: {  	v19 =	vadd.f32 v24, v25;
	v49 =	vmul.f32 v32, v27;
	v33 =	vadd.f32 $1.415121810e-04, v33  }
0xe8: {  	v50 =	vmul.f32 v34, v42;
	v35 =	vadd.f32 $9.954273100e-01, v52;
	v36 =	vadd.f32 v48, v46  }
0xe9: {  	v29 =	vadd.f32 v32, v29;
	v56 =	vmul.f32 v30, v24;
	v57 =	vmul.f32 v51, v44  }
0xea: {  	s20 =	simm.s32 $0x68A0;
	v28 =	vadd.f32 v33, v28;
	v31 =	vadd.f32 $1.415121810e-04, v50;
	v54 =	vmul.f32 v13, v14;
	v14 =	vld [tilespmem:s31+$0xFFFFFFF0]  }
0xeb: {  	[tilespmem:s20+$0xFFFFFFF0] =	vst v9;
	v55 =	vadd.f32 v49, v36;
	v61 =	vadd.f32 $1.415121810e-04, v57;
	v59 =	vmul.f32 v12, v22  }
0xec: {  	[tilespmem:s20+$0x0] =	vst v10;
	v10 =	vmax.f32 v22, $0.0e+00;
	v22 =	vadd.f32 v30, v29;
	v58 =	vsub.f32 v53, v54  }
0xed: {  	[tilespmem:s20+$0xFFFFFF70] =	vst v15;
	v9 =	vmul.f32 v28, v11;
	v60 =	vadd.f32 v56, v55;
	v63 =	vsub.f32 v10, v59  }
0xee: {  	s21 =	simm.s32 $0x69A0;
	[tilespmem:s20+$0xFFFFFF80] =	vst v17;
	v62 =	vmul.f32 v35, v45;
	v10 =	vadd.f32 v28, v22;
	v18 =	vadd.f32 v31, v58  }
0xef: {  	[tilespmem:s21+$0xFFFFFFF0] =	vst v21;
	v15 =	vadd.f32 v9, v60;
	v17 =	vmul.f32 v14, v20;
	v9 =	vadd.f32 v61, v63  }
0xf0: {  	s22 =	simm.s32 $0x2;
	s23 =	simm.s32 $0x3680;
	[tilespmem:s21+$0x0] =	vst v23;
	v22 =	vadd.f32 $1.415121810e-04, v62;
	v20 =	vmax.f32 v20, $0.0e+00;
	v21 =	vmul.f32 v18, v13  }
.LBB2_2:
0xf1: {  	v23 =	vld [tilespmem:s23+$0x70];
	v24 =	vmul.f32 v9, v12;
	v17 =	vsub.f32 v20, v17;
	v8 =	vadd.f32 v8, v16;
	s19 =	sadd.s32 $0x100, s19  }
0xf2: {  	v10 =	vadd.f32 v18, v10;
	v15 =	vadd.f32 v21, v15;
	v16 =	vld [tilespmem:s19+$0x70]  }
0xf3: {  	v11 =	vadd.f32 v11, v19;
	v18 =	vld [tilespmem:s19+$0x60];
	v17 =	vadd.f32 v22, v17  }
0xf4: {  	v15 =	vadd.f32 v24, v15;
	v7 =	vadd.f32 v7, v8;
	v19 =	vld [tilespmem:s19+$0x50]  }
0xf5: {  	v9 =	vadd.f32 v9, v10;
	v8 =	vadd.f32 v13, v11;
	v20 =	vld [tilespmem:s19+$0x40];
	v10 =	vmul.f32 v17, v14  }
0xf6: {  	v6 =	vadd.f32 v6, v7;
	v7 =	vadd.f32 v1, v4;
	v1 =	vmov v14;
	v11 =	vld [tilespmem:s19+$0x30]  }
0xf7: {  	v9 =	vadd.f32 v17, v9;
	v13 =	vld [tilespmem:s19+$0x20];
	v10 =	vadd.f32 v10, v15  }
0xf8: {  	v4 =	vadd.f32 v12, v8;
	v5 =	vadd.f32 v5, v6;
	v14 =	vld [tilespmem:s19+$0x0];
	[tilespmem:s20+$0xFFFFFF60] =	vst v7  }
0xf9: {  	v7 =	vadd.f32 v0, v3;
	v0 =	vmovc v2;
	v2 =	vmov v23;
	v12 =	vld [tilespmem:s19+$0x10];
	[tilespmem:s21+$0xFFFFFF70] =	vst v10;
	v6 =	vsub.f32 v9, v10  }
0xfa: {  	v8 =	vand.u32 $0x7FFFFFFF, v18;
	v9 =	vand.u32 $0x7FFFFFFF, v16;
	v21 =	vmul.f32 v2, v16;
	v3 =	vmovc v5;
	v25 =	vld [tilespmem:s19+$0xFFFFFF90]  }
0xfb: {  	s22 =	sadd.s32 $0x2, s22;
	v10 =	vand.u32 $0x7FFFFFFF, v19;
	v5 =	vand.u32 $0x7FFFFFFF, v20;
	v9 =	vsub.f32 $0.0e+00, v9;
	v27 =	vld [tilespmem:s19+$0xFFFFFF80];
	[tilespmem:s21+$0xFFFFFF80] =	vst v6  }
0xfc: {  	p0 =	slt.u32 s22, $0x62;
	v8 =	vsub.f32 $0.0e+00, v8;
	v6 =	vand.u32 $0x7FFFFFFF, v11;
	v26 =	vld [tilespmem:s19+$0xFFFFFFA0];
	v15 =	vand.u32 $0x7FFFFFFF, v13;
	[tilespmem:s20+$0xFFFFFFE0] =	vst v7;
	s20 =	smov.u32 s21  }
0xfd: {  	v10 =	vsub.f32 $0.0e+00, v10;
	v9 =	vmul.f32 $1.442695020e+00, v9;
	v24 =	vld [tilespmem:s19+$0xFFFFFFB0];
	v7 =	vand.u32 $0x7FFFFFFF, v14  }
0xfe: {  	v22 =	vsub.f32 $0.0e+00, v5;
	v8 =	vmul.f32 $1.442695020e+00, v8;
	v23 =	vld [tilespmem:s19+$0xFFFFFFC0];
	v17 =	vand.u32 $0x7FFFFFFF, v12  }
0xff: {  	v28 =	vsub.f32 $0.0e+00, v6;
	v10 =	vmul.f32 $1.442695020e+00, v10;
	v5 =	vld [tilespmem:s23+$0x60];
	(erf) = vpow2.f32 v9  }
0x100: {  	v22 =	vmul.f32 $1.442695020e+00, v22;
	v9 =	vsub.f32 $0.0e+00, v7;
	v6 =	vld [tilespmem:s23+$0x50];
	(erf) = vpow2.f32 v8  }
0x101: {  	v29 =	vmul.f32 $1.442695020e+00, v28;
	v17 =	vsub.f32 $0.0e+00, v17;
	v7 =	vld [tilespmem:s23+$0x40];
	(erf) = vpow2.f32 v10  }
0x102: {  	v15 =	vsub.f32 $0.0e+00, v15;
	v10 =	vmul.f32 $1.442695020e+00, v9;
	v8 =	vld [tilespmem:s23+$0x30];
	(erf) = vpow2.f32 v22  }
0x103: {  	v28 =	vand.u32 $0x7FFFFFFF, v27;
	v22 =	vmul.f32 $1.442695020e+00, v17;
	v9 =	vld [tilespmem:s23+$0x20];
	(erf) = vpow2.f32 v29  }
0x104: {  	v31 =	vmax.f32 v16, $0.0e+00;
	v29 =	vmul.f32 $1.442695020e+00, v15;
	v17 =	vld [tilespmem:s19+$0xFFFFFFD0];
	(erf) = vpow2.f32 v10  }
0x105: {  	v32 =	vmax.f32 v18, $0.0e+00;
	v33 =	vmul.f32 v5, v18;
	v15 =	vld [tilespmem:s23+$0x0];
	(erf) = vpow2.f32 v22  }
0x106: {  	v34 =	vmax.f32 v19, $0.0e+00;
	v19 =	vmul.f32 v6, v19;
	v16 =	vld [tilespmem:s23+$0x10];
	(erf) = vpow2.f32 v29  }
0x107: {  	v36 =	vmax.f32 v20, $0.0e+00;
	v35 =	vmax.f32 v11, $0.0e+00;
	v37 =	vmul.f32 v7, v20;
	v18 =	vld [tilespmem:s19+$0xFFFFFFE0]  }
0x108: {  	v38 =	vmax.f32 v13, $0.0e+00;
	v11 =	vmul.f32 v8, v11;
	v10 =	vld [tilespmem:s19+$0xFFFFFFF0];
	v13 =	vmul.f32 v9, v13;
	v30 =	vpop (erf)  }
0x109: {  	v39 =	vmax.f32 v14, $0.0e+00;
	v40 =	vmax.f32 v12, $0.0e+00;
	v29 =	vsub.f32 v31, v21;
	v20 =	vld [tilespmem:s23+$0xFFFFFF80];
	v41 =	vpop (erf)  }
0x10a: {  	v31 =	vsub.f32 v32, v33;
	v34 =	vsub.f32 v34, v19;
	v22 =	vld [tilespmem:s23+$0xFFFFFF90];
	v14 =	vmul.f32 v15, v14;
	v32 =	vpop (erf)  }
0x10b: {  	v33 =	vsub.f32 v35, v11;
	v35 =	vsub.f32 v36, v37;
	v21 =	vld [tilespmem:s23+$0xFFFFFFA0];
	v12 =	vmul.f32 v16, v12;
	v36 =	vpop (erf)  }
0x10c: {  	v42 =	vmul.f32 $5.486285310e-02, v30;
	v37 =	vsub.f32 v38, v13;
	v38 =	vmul.f32 $5.486285310e-02, v41;
	v19 =	vld [tilespmem:s23+$0xFFFFFFB0];
	v43 =	vpop (erf)  }
0x10d: {  	v45 =	vmul.f32 $5.486285310e-02, v32;
	v39 =	vsub.f32 v39, v14;
	v44 =	vmul.f32 $5.486285310e-02, v36;
	v11 =	vld [tilespmem:s23+$0xFFFFFFC0];
	v46 =	vpop (erf)  }
0x10e: {  	v40 =	vsub.f32 v40, v12;
	v48 =	vmul.f32 $5.486285310e-02, v43;
	v13 =	vld [tilespmem:s23+$0xFFFFFFD0];
	v47 =	vmul.f32 $5.486285310e-02, v46;
	v49 =	vpop (erf)  }
0x10f: {  	v42 =	vsub.f32 $2.164104430e-01, v42;
	v38 =	vsub.f32 $2.164104430e-01, v38;
	v12 =	vld [tilespmem:s23+$0xFFFFFFE0];
	v50 =	vmul.f32 $5.486285310e-02, v49;
	v51 =	vpop (erf)  }
0x110: {  	v45 =	vsub.f32 $2.164104430e-01, v45;
	v44 =	vsub.f32 $2.164104430e-01, v44;
	v14 =	vld [tilespmem:s23+$0xFFFFFFF0];
	v52 =	vmul.f32 $5.486285310e-02, v51  }
0x111: {  	v42 =	vmul.f32 v42, v30;
	v47 =	vsub.f32 $2.164104430e-01, v47;
	v50 =	vsub.f32 $2.164104430e-01, v50  }
0x112: {  	v38 =	vmul.f32 v38, v41;
	v45 =	vmul.f32 v45, v32;
	v52 =	vsub.f32 $2.164104430e-01, v52  }
0x113: {  	v48 =	vsub.f32 $2.164104430e-01, v48;
	v47 =	vmul.f32 v47, v46;
	v50 =	vmul.f32 v50, v49  }
0x114: {  	v42 =	vadd.f32 $-4.640725850e-01, v42;
	v38 =	vadd.f32 $-4.640725850e-01, v38;
	v52 =	vmul.f32 v52, v51  }
0x115: {  	v44 =	vmul.f32 v44, v36;
	v47 =	vadd.f32 $-4.640725850e-01, v47;
	v50 =	vadd.f32 $-4.640725850e-01, v50  }
0x116: {  	v48 =	vmul.f32 v48, v43;
	v45 =	vadd.f32 $-4.640725850e-01, v45;
	v52 =	vadd.f32 $-4.640725850e-01, v52  }
0x117: {  	v44 =	vadd.f32 $-4.640725850e-01, v44;
	v47 =	vmul.f32 v47, v46;
	v50 =	vmul.f32 v50, v49  }
0x118: {  	v42 =	vmul.f32 v42, v30;
	v48 =	vadd.f32 $-4.640725850e-01, v48;
	v52 =	vmul.f32 v52, v51  }
0x119: {  	v38 =	vmul.f32 v38, v41;
	v47 =	vadd.f32 $9.954273100e-01, v47;
	v50 =	vadd.f32 $9.954273100e-01, v50  }
0x11a: {  	v44 =	vmul.f32 v44, v36;
	v48 =	vmul.f32 v48, v43;
	v52 =	vadd.f32 $9.954273100e-01, v52  }
0x11b: {  	v42 =	vadd.f32 $9.954273100e-01, v42;
	v46 =	vmul.f32 v47, v46;
	v47 =	vmul.f32 v50, v49  }
0x11c: {  	v38 =	vadd.f32 $9.954273100e-01, v38;
	v48 =	vadd.f32 $9.954273100e-01, v48;
	v49 =	vmul.f32 v52, v51  }
0x11d: {  	v45 =	vmul.f32 v45, v32;
	v46 =	vadd.f32 $1.415121810e-04, v46;
	v47 =	vadd.f32 $1.415121810e-04, v47  }
0x11e: {  	v44 =	vadd.f32 $9.954273100e-01, v44;
	v43 =	vmul.f32 v48, v43;
	v49 =	vadd.f32 $1.415121810e-04, v49  }
0x11f: {  	v48 =	vand.u32 $0x7FFFFFFF, v25;
	v39 =	vadd.f32 v46, v39;
	v40 =	vadd.f32 v47, v40  }
0x120: {  	v36 =	vmul.f32 v44, v36;
	v44 =	vadd.f32 $9.954273100e-01, v45;
	v43 =	vadd.f32 $1.415121810e-04, v43  }
0x121: {  	v45 =	vmul.f32 v39, v15;
	v37 =	vadd.f32 v49, v37;
	v46 =	vmul.f32 v40, v16  }
0x122: {  	v36 =	vadd.f32 $1.415121810e-04, v36;
	v32 =	vmul.f32 v44, v32;
	v33 =	vadd.f32 v43, v33  }
0x123: {  	v39 =	vadd.f32 v40, v39;
	v43 =	vmul.f32 v37, v9;
	v40 =	vadd.f32 v46, v45  }
0x124: {  	v35 =	vadd.f32 v36, v35;
	v32 =	vadd.f32 $1.415121810e-04, v32;
	v36 =	vmul.f32 v38, v41  }
0x125: {  	v37 =	vadd.f32 v37, v39;
	v39 =	vmul.f32 v33, v8;
	v38 =	vadd.f32 v43, v40  }
0x126: {  	v30 =	vmul.f32 v42, v30;
	v32 =	vadd.f32 v32, v34;
	v34 =	vadd.f32 $1.415121810e-04, v36  }
0x127: {  	v33 =	vadd.f32 v33, v37;
	v37 =	vmul.f32 v35, v7;
	v36 =	vadd.f32 v39, v38  }
0x128: {  	v30 =	vadd.f32 $1.415121810e-04, v30;
	v31 =	vadd.f32 v34, v31;
	v38 =	vand.u32 $0x7FFFFFFF, v26  }
0x129: {  	v33 =	vadd.f32 v35, v33;
	v35 =	vmul.f32 v32, v6;
	v34 =	vadd.f32 v37, v36  }
0x12a: {  	v28 =	vsub.f32 $0.0e+00, v28;
	v29 =	vadd.f32 v30, v29;
	v36 =	vand.u32 $0x7FFFFFFF, v24  }
0x12b: {  	v30 =	vadd.f32 v32, v33;
	v33 =	vmul.f32 v31, v5;
	v32 =	vadd.f32 v35, v34  }
0x12c: {  	v28 =	vmul.f32 $1.442695020e+00, v28;
	v34 =	vsub.f32 $0.0e+00, v48;
	v35 =	vsub.f32 $0.0e+00, v38  }
0x12d: {  	v30 =	vadd.f32 v31, v30;
	v31 =	vadd.f32 v33, v32;
	v32 =	vmul.f32 v29, v2  }
0x12e: {  	v33 =	vmul.f32 $1.442695020e+00, v34;
	v34 =	vsub.f32 $0.0e+00, v36;
	(erf) = vpow2.f32 v28  }
0x12f: {  	v29 =	vadd.f32 v29, v30;
	v28 =	vmul.f32 $1.442695020e+00, v35;
	v30 =	vadd.f32 v32, v31  }
0x130: {  	v31 =	vmul.f32 $1.442695020e+00, v34;
	v32 =	vand.u32 $0x7FFFFFFF, v23;
	(erf) = vpow2.f32 v33  }
0x131: {  	v32 =	vsub.f32 $0.0e+00, v32;
	v29 =	vsub.f32 v29, v30;
	(erf) = vpow2.f32 v28  }
0x132: {  	s21 =	sadd.s32 $0x100, s21;
	v33 =	vand.u32 $0x7FFFFFFF, v18;
	v28 =	vand.u32 $0x7FFFFFFF, v17;
	(erf) = vpow2.f32 v31  }
0x133: {  	v31 =	vmul.f32 $1.442695020e+00, v32;
	v28 =	vsub.f32 $0.0e+00, v28;
	v32 =	vsub.f32 $0.0e+00, v33;
	[tilespmem:s21+$0x0] =	vst v29  }
0x134: {  	v34 =	vand.u32 $0x7FFFFFFF, v10;
	v33 =	vmul.f32 v22, v25;
	v29 =	vmul.f32 v20, v27;
	[tilespmem:s21+$0xFFFFFFF0] =	vst v30  }
0x135: {  	v34 =	vsub.f32 $0.0e+00, v34;
	v28 =	vmul.f32 $1.442695020e+00, v28;
	(erf) = vpow2.f32 v31  }
0x136: {  	v25 =	vmax.f32 v25, $0.0e+00;
	v27 =	vmax.f32 v27, $0.0e+00;
	v31 =	vmul.f32 $1.442695020e+00, v32  }
0x137: {  	v27 =	vsub.f32 v27, v29;
	v29 =	vmul.f32 $1.442695020e+00, v34;
	v30 =	vpop (erf);
	(erf) = vpow2.f32 v28  }
0x138: {  	v25 =	vsub.f32 v25, v33;
	v28 =	vmul.f32 $5.486285310e-02, v30;
	(erf) = vpow2.f32 v31  }
0x139: {  	v31 =	vmax.f32 v26, $0.0e+00;
	v26 =	vmul.f32 v21, v26;
	v32 =	vpop (erf);
	(erf) = vpow2.f32 v29  }
0x13a: {  	v33 =	vmul.f32 v19, v24;
	v28 =	vsub.f32 $2.164104430e-01, v28;
	v29 =	vmul.f32 $5.486285310e-02, v32;
	v34 =	vpop (erf)  }
0x13b: {  	v24 =	vmax.f32 v24, $0.0e+00;
	v26 =	vsub.f32 v31, v26;
	v31 =	vmul.f32 $5.486285310e-02, v34;
	v35 =	vpop (erf)  }
0x13c: {  	v28 =	vmul.f32 v28, v30;
	v29 =	vsub.f32 $2.164104430e-01, v29;
	v36 =	vmul.f32 $5.486285310e-02, v35  }
0x13d: {  	v24 =	vsub.f32 v24, v33;
	v33 =	vmul.f32 v11, v23;
	v31 =	vsub.f32 $2.164104430e-01, v31  }
0x13e: {  	v28 =	vadd.f32 $-4.640725850e-01, v28;
	v29 =	vmul.f32 v29, v32;
	v36 =	vsub.f32 $2.164104430e-01, v36;
	v37 =	vpop (erf)  }
0x13f: {  	v23 =	vmax.f32 v23, $0.0e+00;
	v31 =	vmul.f32 v31, v34;
	v38 =	vmul.f32 $5.486285310e-02, v37  }
0x140: {  	v28 =	vmul.f32 v28, v30;
	v29 =	vadd.f32 $-4.640725850e-01, v29;
	v36 =	vmul.f32 v36, v35;
	v39 =	vpop (erf)  }
0x141: {  	v31 =	vadd.f32 $-4.640725850e-01, v31;
	v38 =	vsub.f32 $2.164104430e-01, v38;
	v40 =	vmul.f32 $5.486285310e-02, v39;
	v41 =	vpop (erf)  }
0x142: {  	v28 =	vadd.f32 $9.954273100e-01, v28;
	v29 =	vmul.f32 v29, v32;
	v36 =	vadd.f32 $-4.640725850e-01, v36;
	v42 =	vpop (erf)  }
0x143: {  	v31 =	vmul.f32 v31, v34;
	v38 =	vmul.f32 v38, v37;
	v40 =	vsub.f32 $2.164104430e-01, v40  }
0x144: {  	v28 =	vmul.f32 v28, v30;
	v29 =	vadd.f32 $9.954273100e-01, v29;
	v30 =	vmul.f32 $5.486285310e-02, v41  }
0x145: {  	v36 =	vmul.f32 v36, v35;
	v31 =	vadd.f32 $9.954273100e-01, v31;
	v38 =	vadd.f32 $-4.640725850e-01, v38  }
0x146: {  	v29 =	vmul.f32 v29, v32;
	v32 =	vmul.f32 v40, v39;
	v30 =	vsub.f32 $2.164104430e-01, v30  }
0x147: {  	v28 =	vadd.f32 $1.415121810e-04, v28;
	v31 =	vmul.f32 v31, v34;
	v34 =	vmul.f32 $5.486285310e-02, v42  }
0x148: {  	v36 =	vadd.f32 $9.954273100e-01, v36;
	v38 =	vmul.f32 v38, v37;
	v29 =	vadd.f32 $1.415121810e-04, v29  }
0x149: {  	v32 =	vadd.f32 $-4.640725850e-01, v32;
	v30 =	vmul.f32 v30, v41;
	v34 =	vsub.f32 $2.164104430e-01, v34  }
0x14a: {  	v27 =	vadd.f32 v28, v27;
	v28 =	vmul.f32 v36, v35;
	v25 =	vadd.f32 v29, v25  }
0x14b: {  	v29 =	vadd.f32 $1.415121810e-04, v31;
	v31 =	vadd.f32 $9.954273100e-01, v38;
	v32 =	vmul.f32 v32, v39  }
0x14c: {  	v35 =	vmul.f32 v27, v20;
	v30 =	vadd.f32 $-4.640725850e-01, v30;
	v34 =	vmul.f32 v34, v42  }
0x14d: {  	v28 =	vadd.f32 $1.415121810e-04, v28;
	v36 =	vmul.f32 v25, v22;
	v26 =	vadd.f32 v29, v26  }
0x14e: {  	v29 =	vmul.f32 v31, v37;
	v31 =	vadd.f32 $9.954273100e-01, v32;
	v30 =	vmul.f32 v30, v41  }
0x14f: {  	v34 =	vadd.f32 $-4.640725850e-01, v34;
	v32 =	vadd.f32 v36, v35;
	v35 =	vmul.f32 v26, v21  }
0x150: {  	v25 =	vadd.f32 v25, v27;
	v24 =	vadd.f32 v28, v24;
	v27 =	vmul.f32 v31, v39  }
0x151: {  	v28 =	vadd.f32 $1.415121810e-04, v29;
	v29 =	vadd.f32 $9.954273100e-01, v30;
	v30 =	vmul.f32 v34, v42  }
0x152: {  	v23 =	vsub.f32 v23, v33;
	v31 =	vmax.f32 v17, $0.0e+00;
	v17 =	vmul.f32 v13, v17  }
0x153: {  	v25 =	vadd.f32 v26, v25;
	v26 =	vadd.f32 v35, v32;
	v32 =	vmul.f32 v24, v19  }
0x154: {  	v23 =	vadd.f32 v28, v23;
	v27 =	vadd.f32 $1.415121810e-04, v27;
	v28 =	vmul.f32 v29, v41  }
0x155: {  	v17 =	vsub.f32 v31, v17;
	v29 =	vmul.f32 v12, v18;
	v30 =	vadd.f32 $9.954273100e-01, v30  }
0x156: {  	v16 =	vadd.f32 v16, v15;
	v20 =	vadd.f32 v22, v20;
	v22 =	vmax.f32 v18, $0.0e+00  }
0x157: {  	v24 =	vadd.f32 v24, v25;
	v15 =	vadd.f32 v32, v26;
	v25 =	vmul.f32 v23, v11  }
.Ltmp0:
0x158: {  	v18 =	vadd.f32 v27, v17;
	v26 =	vadd.f32 $1.415121810e-04, v28;
	v27 =	vmul.f32 v30, v42;
	(pc) =	sbr.rel @p0 .LBB2_2-.Ltmp0, $4  }
0x159: {  	v28 =	vadd.f32 v21, v20;
	v22 =	vsub.f32 v22, v29;
	v17 =	vmul.f32 v14, v10  }
0x15a: {  	v16 =	vadd.f32 v9, v16;
	v20 =	vmax.f32 v10, $0.0e+00;
	v15 =	vadd.f32 v25, v15  }
0x15b: {  	v10 =	vadd.f32 v23, v24;
	v21 =	vmul.f32 v18, v13;
	v9 =	vadd.f32 v26, v22  }
0x15c: {  	s23 =	sadd.s32 $0x100, s23;
	v19 =	vadd.f32 v19, v28;
	v22 =	vadd.f32 $1.415121810e-04, v27  }
0x15d: {  	v17 =	vsub.f32 v20, v17;
	v8 =	vadd.f32 v8, v16  }
0x15e: {  	v15 =	vadd.f32 v21, v15;
	v10 =	vadd.f32 v18, v10  }
0x15f: {  	v1 =	vadd.f32 v1, v4;
	v11 =	vadd.f32 v11, v19  }
0x160: {  	v52 =	vmul.f32 v9, v12;
	v0 =	vadd.f32 v0, v3;
	v53 =	vadd.f32 v22, v17  }
0x161: {  	v7 =	vadd.f32 v7, v8;
	v56 =	vadd.f32 v13, v11  }
0x162: {  	v15 =	vadd.f32 v52, v15;
	v54 =	vadd.f32 v9, v10;
	v55 =	vmul.f32 v53, v14  }
0x163: {  	v6 =	vadd.f32 v6, v7;
	v59 =	vadd.f32 v12, v56  }
0x164: {  	[tilespmem:s20+$0xFFFFFF60] =	vst v1;
	v57 =	vadd.f32 v53, v54;
	v58 =	vadd.f32 v55, v15  }
0x165: {  	[tilespmem:s20+$0xFFFFFFE0] =	vst v0;
	v61 =	vadd.f32 v5, v6;
	v62 =	vadd.f32 v14, v59  }
0x166: {  	v60 =	vsub.f32 v57, v58;
	[tilespmem:s21+$0xFFFFFF70] =	vst v58  }
0x167: {  	s18 =	sadd.s32 $0x1, s18;
	v63 =	vadd.f32 v2, v61;
	[tilespmem:s21+$0xFFFFFF60] =	vst v62  }
0x168: {  	p0 =	sne.s32 s18, s8;
	[tilespmem:s21+$0xFFFFFF80] =	vst v60  }
.Ltmp1:
0x169: {  	[tilespmem:s21+$0xFFFFFFE0] =	vst v63;
	(pc) =	sbr.rel @p0 .LBB2_1-.Ltmp1, $4  }
0x16a: {  	[hbm4b:s7+s2] =	stream.linear.scatter [tilespmem:s16], [sflag:$0x3], $0x3200, $0x38;
	[tilespmem:$0x9C00] =	vst v63  }
0x16b: {  	_ =	swait.ge [sflag:s17], $0x3200  }
0x16c: {  	[sflag:s17] =	ssyncset.done $0x0  }
0x16d: {  	[sflag:s17] =	ssyncadd.s32 $0xFFFFCE00  }
0x16e: {  	_ =	sfence.sel $0x180000  }
0x16f: {  	[bflag:$0x0] =	sbarrier.arrive $0xFFFF  }
0x170: {  	p0 =	sne.s32 s0, $0x0;
	_ =	strace $0x90000047  }
0x171: {  	s0 =	sadd.s32 @!p0 $0x100000, s1;
	[bflag:$0x2] =	sbarrier.arrive $0xFFFF  }
0x172: {  	[sflag:s0] =	ssyncadd.tile.s32 @!p0 $0x1;
	_ =	shalt  }
.Lfunc_end2:
_tile_overlayer_lowered:
.L_overlay_start_2:
0x173: {  	(tag) =	ssettag $0x2  }
0x174: {  	s0 =	rddreg [dreg:$0x0];
	s2 =	stileid.u32  }
0x175: {  	s1 =	rddreg [dreg:$0x1];
	p0 =	sne.s32 s2, $0x0  }
0x176: {  	s3 =	rddreg [dreg:$0x2];
	[bflag:$0x3] =	sbarrier.arrive $0xFFFF;
	s2 =	simm.s32 @!p0 $0x1C03  }
0x177: {  	[timem:s3], [sflag:s2] =	dma.local @!p0 [hbm:s0], s1  }
0x178: {  	s0 =	simm.s32 @!p0 $0x3  }
0x179: {  	_ =	swait.ge @!p0 [sflag:s0], s1  }
0x17a: {  	s1 =	ssub.s32 @!p0 $0x0, s1;
	[sflag:s0] =	ssyncset.done @!p0 $0x0  }
0x17b: {  	[sflag:s0] =	ssyncadd.s32 @!p0 s1  }
0x17c: {  	[bflag:$0x3] =	sbarrier.arrive $0xFFFF  }
0x17d: {  	_ =	shalt  }

</sc_bundles>
